<compile_context>
chip_gen: v7x
topology: tpu7x:2x2x1
jax: 0.10.2.dev20260603
libtpu: 0.0.44.dev20260713+nightly
codegen_flags: <defaults>
</compile_context>

<pallas_src>
import functools

import jax
import jax.numpy as jnp
from jax import lax
from jax.experimental import pallas as pl
from jax.experimental.pallas import tpu as pltpu
from jax.experimental.pallas import tpu_sc as plsc

NUM_HEADS = 16
N = 256
TROW = 968
TABLE_WORDS = NUM_HEADS * TROW
NUM_WORKERS = 32
ROWS_PER_W = N // NUM_WORKERS
IDX_PER_W = ROWS_PER_W * N
BLK = N * NUM_HEADS
GROUPS_PER_ROW = N // 16


def _sc_gather(table_flat, idx_flat):
    mesh = plsc.VectorSubcoreMesh(core_axis_name="c", subcore_axis_name="s")

    @functools.partial(
        pl.kernel,
        mesh=mesh,
        out_type=jax.ShapeDtypeStruct((N * BLK,), jnp.float32),
        scratch_types=[
            pltpu.VMEM((TABLE_WORDS,), jnp.float32),
            pltpu.VMEM((IDX_PER_W,), jnp.int32),
            pltpu.VMEM((ROWS_PER_W * BLK,), jnp.float32),
            pltpu.SemaphoreType.DMA,
            pltpu.SemaphoreType.DMA,
        ],
        compiler_params=pltpu.CompilerParams(
            use_tc_tiling_on_sc=False, needs_layout_passes=False),
    )
    def gather_kernel(table_hbm, idx_hbm, out_hbm, table_v, idx_v, blk_v,
                      sem_in, sem_out):
        wid = lax.axis_index("s") * 2 + lax.axis_index("c")
        qtr = TABLE_WORDS // 4
        cin = [
            pltpu.async_copy(idx_hbm.at[pl.ds(wid * IDX_PER_W, IDX_PER_W)],
                             idx_v, sem_in)
        ]
        for k in range(4):
            off = ((wid + k) % 4) * qtr
            cin.append(pltpu.async_copy(table_hbm.at[pl.ds(off, qtr)],
                                        table_v.at[pl.ds(off, qtr)],
                                        sem_in))
        for c in cin:
            c.wait()

        def row_body(a, _):
            @plsc.parallel_loop(0, GROUPS_PER_ROW, unroll=2)
            def grp_body(j):
                jb = (j >> 3) * 1024 + (j & 7) * 16
                idx16 = idx_v[pl.ds(jb + a * 128, 16)]
                base = a * BLK + jb
                for c in range(NUM_HEADS):
                    vals = plsc.load_gather(table_v, [idx16 + c * TROW])
                    blk_v[pl.ds(base + (c >> 3) * 2048 + (c & 7) * 128,
                                16)] = vals

            pltpu.async_copy(
                blk_v.at[pl.ds(a * BLK, BLK)],
                out_hbm.at[pl.ds((wid * ROWS_PER_W + a) * BLK, BLK)],
                sem_out)
            return ()

        lax.fori_loop(0, ROWS_PER_W, row_body, (), unroll=False)
        pltpu.make_async_copy(
            out_hbm.at[pl.ds(wid * ROWS_PER_W * BLK, ROWS_PER_W * BLK)],
            blk_v, sem_out).wait()

    return gather_kernel(table_flat, idx_flat)


def kernel(relative_position_bias_table, relative_position_index):
    table_flat = jnp.pad(relative_position_bias_table.T,
                         ((0, 0), (0, TROW - 961))).reshape(-1)
    idx_flat = (relative_position_index.astype(jnp.int32)
                .reshape(32, 8, 2, 128)
                .transpose(0, 2, 1, 3)
                .reshape(-1))
    out = _sc_gather(table_flat, idx_flat)
    return (out.reshape(N, 2, 2, 8, 128)
               .transpose(0, 2, 4, 1, 3)
               .reshape(N, N, NUM_HEADS))

# --- scband reference (transcript-rebuilt; emitter-appended) ---
"""Pipeline reference for scband-relative-position-bias-61091614818833 (READ-ONLY COPY).

The authoritative reference and input builder live on the scoring server;
editing this copy changes nothing except your own understanding.
"""

import jax, jax.numpy as jnp
import numpy as np

NUM_HEADS = 16
WH, WW = 16, 16

def _make_relative_position_index(Wh, Ww):
    coords_h = np.arange(Wh)
    coords_w = np.arange(Ww)
    coords = np.stack(np.meshgrid(coords_h, coords_w, indexing='ij'))  # (2, Wh, Ww)
    coords_flatten = coords.reshape(2, -1)  # (2, Wh*Ww)
    relative_coords = coords_flatten[:, :, None] - coords_flatten[:, None, :]  # (2, N, N)
    relative_coords = relative_coords.transpose(1, 2, 0).copy()  # (N, N, 2)
    relative_coords[:, :, 0] += Wh - 1
    relative_coords[:, :, 1] += Ww - 1
    relative_coords[:, :, 0] *= 2 * Ww - 1
    relative_position_index = relative_coords.sum(-1)  # (N, N)
    return relative_position_index.astype(np.int64)

def setup_inputs(seed: int = 0) -> dict:
    key = jax.random.key(seed)
    num_relative_positions = (2 * WH - 1) * (2 * WW - 1)
    # trunc_normal(std=0.02) approximated by clipped normal
    table = jnp.clip(
        jax.random.normal(key, (num_relative_positions, NUM_HEADS), dtype=jnp.float32) * 0.02,
        -0.04, 0.04,
    )
    rel_pos_index = jnp.asarray(_make_relative_position_index(WH, WW))  # int64 (N, N)
    return {"relative_position_bias_table": table, "relative_position_index": rel_pos_index}

def reference(relative_position_bias_table, relative_position_index):
    N = WH * WW
    flat_idx = relative_position_index.reshape(-1)  # (N*N,)
    bias = jnp.take(relative_position_bias_table, flat_idx, axis=0)  # (N*N, num_heads)
    return bias.reshape(N, N, -1)

if __name__ == "__main__":
    import jax
    _d = setup_inputs()
    print(jax.jit(kernel)(*tuple(_d.values())))

</pallas_src>

<mosaic_0001>
#map = affine_map<(d0, d1) -> (0)>
module attributes {stable_mosaic.version = 14 : i64} {
  func.func @gather_kernel(%arg0: i32, %arg1: i32, %arg2: memref<15488xf32, #tpu.memory_space<hbm>>, %arg3: memref<65536xi32, #tpu.memory_space<hbm>>, %arg4: memref<1048576xf32, #tpu.memory_space<hbm>>, %arg5: memref<15488xf32, #tpu.memory_space<vmem>>, %arg6: memref<2048xi32, #tpu.memory_space<vmem>>, %arg7: memref<32768xf32, #tpu.memory_space<vmem>>, %arg8: memref<!tpu.dma_semaphore, #tpu.memory_space<semaphore_mem>>, %arg9: memref<!tpu.dma_semaphore, #tpu.memory_space<semaphore_mem>>) attributes {dimension_semantics = [#tpu.dimension_semantics<core_parallel>, #tpu.dimension_semantics<subcore_parallel>], iteration_bounds = array<i64: 2, 16>, scalar_prefetch = 0 : i64, scratch_operands = 5 : i64, tpu.core_type = #tpu.core_type<sc_vector_subcore>, window_params = [{transform_indices = #map}, {transform_indices = #map}, {transform_indices = #map}]} {
    %mul3A = arith.constant 2 : i32
    %mul3A_0 = arith.muli %arg1, %mul3A : i32
    %add3A = arith.addi %mul3A_0, %arg0 : i32
    %mul3A_1 = arith.constant 2048 : i32
    %mul3A_2 = arith.muli %add3A, %mul3A_1 : i32
    %dma_start3A = tpu.memref_slice %arg3[%mul3A_2] : memref<65536xi32, #tpu.memory_space<hbm>> -> memref<2048xi32, #tpu.memory_space<hbm>>
    %dma_start3A_3 = tpu.memref_slice %arg3[%mul3A_2] : memref<65536xi32, #tpu.memory_space<hbm>> -> memref<2048xi32, #tpu.memory_space<hbm>>
    tpu.enqueue_dma source(%dma_start3A_3 : memref<2048xi32, #tpu.memory_space<hbm>>) target(%arg6 : memref<2048xi32, #tpu.memory_space<vmem>>) target_semaphore(%arg8 : memref<!tpu.dma_semaphore, #tpu.memory_space<semaphore_mem>>)
    %add3A_4 = arith.constant 0 : i32
    %add3A_5 = arith.addi %add3A, %add3A_4 : i32
    %jit3A = arith.constant 4 : i32
    %eq3A = arith.constant 0 : i32
    %eq3A_6 = arith.cmpi eq, %jit3A, %eq3A : i32
    %jit3A_7 = arith.constant 1 : i32
    %select_n3A = arith.select %eq3A_6, %jit3A_7, %jit3A : i32
    %rem3A = arith.remsi %add3A_5, %select_n3A : i32
    %ne3A = arith.constant 0 : i32
    %ne3A_8 = arith.cmpi ne, %rem3A, %ne3A : i32
    %lt3A = arith.constant 0 : i32
    %lt3A_9 = arith.cmpi slt, %rem3A, %lt3A : i32
    %lt3A_10 = arith.constant 0 : i32
    %lt3A_11 = arith.cmpi slt, %select_n3A, %lt3A_10 : i32
    %ne3A_12 = arith.xori %lt3A_9, %lt3A_11 : i1
    %and3A = arith.andi %ne3A_12, %ne3A_8 : i1
    %add3A_13 = arith.addi %rem3A, %select_n3A : i32
    %select_n3A_14 = arith.select %and3A, %add3A_13, %rem3A : i32
    %mul3A_15 = arith.constant 3872 : i32
    %mul3A_16 = arith.muli %select_n3A_14, %mul3A_15 : i32
    %dma_start3A_17 = tpu.memref_slice %arg5[%mul3A_16] : memref<15488xf32, #tpu.memory_space<vmem>> -> memref<3872xf32, #tpu.memory_space<vmem>>
    %dma_start3A_18 = tpu.memref_slice %arg2[%mul3A_16] : memref<15488xf32, #tpu.memory_space<hbm>> -> memref<3872xf32, #tpu.memory_space<hbm>>
    %dma_start3A_19 = tpu.memref_slice %arg5[%mul3A_16] : memref<15488xf32, #tpu.memory_space<vmem>> -> memref<3872xf32, #tpu.memory_space<vmem>>
    %dma_start3A_20 = tpu.memref_slice %arg2[%mul3A_16] : memref<15488xf32, #tpu.memory_space<hbm>> -> memref<3872xf32, #tpu.memory_space<hbm>>
    tpu.enqueue_dma source(%dma_start3A_20 : memref<3872xf32, #tpu.memory_space<hbm>>) target(%dma_start3A_19 : memref<3872xf32, #tpu.memory_space<vmem>>) target_semaphore(%arg8 : memref<!tpu.dma_semaphore, #tpu.memory_space<semaphore_mem>>)
    %add3A_21 = arith.constant 1 : i32
    %add3A_22 = arith.addi %add3A, %add3A_21 : i32
    %jit3A_23 = arith.constant 4 : i32
    %eq3A_24 = arith.constant 0 : i32
    %eq3A_25 = arith.cmpi eq, %jit3A_23, %eq3A_24 : i32
    %jit3A_26 = arith.constant 1 : i32
    %select_n3A_27 = arith.select %eq3A_25, %jit3A_26, %jit3A_23 : i32
    %rem3A_28 = arith.remsi %add3A_22, %select_n3A_27 : i32
    %ne3A_29 = arith.constant 0 : i32
    %ne3A_30 = arith.cmpi ne, %rem3A_28, %ne3A_29 : i32
    %lt3A_31 = arith.constant 0 : i32
    %lt3A_32 = arith.cmpi slt, %rem3A_28, %lt3A_31 : i32
    %lt3A_33 = arith.constant 0 : i32
    %lt3A_34 = arith.cmpi slt, %select_n3A_27, %lt3A_33 : i32
    %ne3A_35 = arith.xori %lt3A_32, %lt3A_34 : i1
    %and3A_36 = arith.andi %ne3A_35, %ne3A_30 : i1
    %add3A_37 = arith.addi %rem3A_28, %select_n3A_27 : i32
    %select_n3A_38 = arith.select %and3A_36, %add3A_37, %rem3A_28 : i32
    %mul3A_39 = arith.constant 3872 : i32
    %mul3A_40 = arith.muli %select_n3A_38, %mul3A_39 : i32
    %dma_start3A_41 = tpu.memref_slice %arg5[%mul3A_40] : memref<15488xf32, #tpu.memory_space<vmem>> -> memref<3872xf32, #tpu.memory_space<vmem>>
    %dma_start3A_42 = tpu.memref_slice %arg2[%mul3A_40] : memref<15488xf32, #tpu.memory_space<hbm>> -> memref<3872xf32, #tpu.memory_space<hbm>>
    %dma_start3A_43 = tpu.memref_slice %arg5[%mul3A_40] : memref<15488xf32, #tpu.memory_space<vmem>> -> memref<3872xf32, #tpu.memory_space<vmem>>
    %dma_start3A_44 = tpu.memref_slice %arg2[%mul3A_40] : memref<15488xf32, #tpu.memory_space<hbm>> -> memref<3872xf32, #tpu.memory_space<hbm>>
    tpu.enqueue_dma source(%dma_start3A_44 : memref<3872xf32, #tpu.memory_space<hbm>>) target(%dma_start3A_43 : memref<3872xf32, #tpu.memory_space<vmem>>) target_semaphore(%arg8 : memref<!tpu.dma_semaphore, #tpu.memory_space<semaphore_mem>>)
    %add3A_45 = arith.constant 2 : i32
    %add3A_46 = arith.addi %add3A, %add3A_45 : i32
    %jit3A_47 = arith.constant 4 : i32
    %eq3A_48 = arith.constant 0 : i32
    %eq3A_49 = arith.cmpi eq, %jit3A_47, %eq3A_48 : i32
    %jit3A_50 = arith.constant 1 : i32
    %select_n3A_51 = arith.select %eq3A_49, %jit3A_50, %jit3A_47 : i32
    %rem3A_52 = arith.remsi %add3A_46, %select_n3A_51 : i32
    %ne3A_53 = arith.constant 0 : i32
    %ne3A_54 = arith.cmpi ne, %rem3A_52, %ne3A_53 : i32
    %lt3A_55 = arith.constant 0 : i32
    %lt3A_56 = arith.cmpi slt, %rem3A_52, %lt3A_55 : i32
    %lt3A_57 = arith.constant 0 : i32
    %lt3A_58 = arith.cmpi slt, %select_n3A_51, %lt3A_57 : i32
    %ne3A_59 = arith.xori %lt3A_56, %lt3A_58 : i1
    %and3A_60 = arith.andi %ne3A_59, %ne3A_54 : i1
    %add3A_61 = arith.addi %rem3A_52, %select_n3A_51 : i32
    %select_n3A_62 = arith.select %and3A_60, %add3A_61, %rem3A_52 : i32
    %mul3A_63 = arith.constant 3872 : i32
    %mul3A_64 = arith.muli %select_n3A_62, %mul3A_63 : i32
    %dma_start3A_65 = tpu.memref_slice %arg5[%mul3A_64] : memref<15488xf32, #tpu.memory_space<vmem>> -> memref<3872xf32, #tpu.memory_space<vmem>>
    %dma_start3A_66 = tpu.memref_slice %arg2[%mul3A_64] : memref<15488xf32, #tpu.memory_space<hbm>> -> memref<3872xf32, #tpu.memory_space<hbm>>
    %dma_start3A_67 = tpu.memref_slice %arg5[%mul3A_64] : memref<15488xf32, #tpu.memory_space<vmem>> -> memref<3872xf32, #tpu.memory_space<vmem>>
    %dma_start3A_68 = tpu.memref_slice %arg2[%mul3A_64] : memref<15488xf32, #tpu.memory_space<hbm>> -> memref<3872xf32, #tpu.memory_space<hbm>>
    tpu.enqueue_dma source(%dma_start3A_68 : memref<3872xf32, #tpu.memory_space<hbm>>) target(%dma_start3A_67 : memref<3872xf32, #tpu.memory_space<vmem>>) target_semaphore(%arg8 : memref<!tpu.dma_semaphore, #tpu.memory_space<semaphore_mem>>)
    %add3A_69 = arith.constant 3 : i32
    %add3A_70 = arith.addi %add3A, %add3A_69 : i32
    %jit3A_71 = arith.constant 4 : i32
    %eq3A_72 = arith.constant 0 : i32
    %eq3A_73 = arith.cmpi eq, %jit3A_71, %eq3A_72 : i32
    %jit3A_74 = arith.constant 1 : i32
    %select_n3A_75 = arith.select %eq3A_73, %jit3A_74, %jit3A_71 : i32
    %rem3A_76 = arith.remsi %add3A_70, %select_n3A_75 : i32
    %ne3A_77 = arith.constant 0 : i32
    %ne3A_78 = arith.cmpi ne, %rem3A_76, %ne3A_77 : i32
    %lt3A_79 = arith.constant 0 : i32
    %lt3A_80 = arith.cmpi slt, %rem3A_76, %lt3A_79 : i32
    %lt3A_81 = arith.constant 0 : i32
    %lt3A_82 = arith.cmpi slt, %select_n3A_75, %lt3A_81 : i32
    %ne3A_83 = arith.xori %lt3A_80, %lt3A_82 : i1
    %and3A_84 = arith.andi %ne3A_83, %ne3A_78 : i1
    %add3A_85 = arith.addi %rem3A_76, %select_n3A_75 : i32
    %select_n3A_86 = arith.select %and3A_84, %add3A_85, %rem3A_76 : i32
    %mul3A_87 = arith.constant 3872 : i32
    %mul3A_88 = arith.muli %select_n3A_86, %mul3A_87 : i32
    %dma_start3A_89 = tpu.memref_slice %arg5[%mul3A_88] : memref<15488xf32, #tpu.memory_space<vmem>> -> memref<3872xf32, #tpu.memory_space<vmem>>
    %dma_start3A_90 = tpu.memref_slice %arg2[%mul3A_88] : memref<15488xf32, #tpu.memory_space<hbm>> -> memref<3872xf32, #tpu.memory_space<hbm>>
    %dma_start3A_91 = tpu.memref_slice %arg5[%mul3A_88] : memref<15488xf32, #tpu.memory_space<vmem>> -> memref<3872xf32, #tpu.memory_space<vmem>>
    %dma_start3A_92 = tpu.memref_slice %arg2[%mul3A_88] : memref<15488xf32, #tpu.memory_space<hbm>> -> memref<3872xf32, #tpu.memory_space<hbm>>
    tpu.enqueue_dma source(%dma_start3A_92 : memref<3872xf32, #tpu.memory_space<hbm>>) target(%dma_start3A_91 : memref<3872xf32, #tpu.memory_space<vmem>>) target_semaphore(%arg8 : memref<!tpu.dma_semaphore, #tpu.memory_space<semaphore_mem>>)
    %dma_wait3A = tpu.memref_slice %arg3[%mul3A_2] : memref<65536xi32, #tpu.memory_space<hbm>> -> memref<2048xi32, #tpu.memory_space<hbm>>
    %dma_wait3A_93 = tpu.memref_slice %arg3[%mul3A_2] : memref<65536xi32, #tpu.memory_space<hbm>> -> memref<2048xi32, #tpu.memory_space<hbm>>
    tpu.wait_dma2 semaphore(%arg8 : memref<!tpu.dma_semaphore, #tpu.memory_space<semaphore_mem>>) src(%dma_wait3A_93 : memref<2048xi32, #tpu.memory_space<hbm>>) dst(%arg6 : memref<2048xi32, #tpu.memory_space<vmem>>)
    %dma_wait3A_94 = tpu.memref_slice %arg5[%mul3A_16] : memref<15488xf32, #tpu.memory_space<vmem>> -> memref<3872xf32, #tpu.memory_space<vmem>>
    %dma_wait3A_95 = tpu.memref_slice %arg2[%mul3A_16] : memref<15488xf32, #tpu.memory_space<hbm>> -> memref<3872xf32, #tpu.memory_space<hbm>>
    %dma_wait3A_96 = tpu.memref_slice %arg5[%mul3A_16] : memref<15488xf32, #tpu.memory_space<vmem>> -> memref<3872xf32, #tpu.memory_space<vmem>>
    %dma_wait3A_97 = tpu.memref_slice %arg2[%mul3A_16] : memref<15488xf32, #tpu.memory_space<hbm>> -> memref<3872xf32, #tpu.memory_space<hbm>>
    tpu.wait_dma2 semaphore(%arg8 : memref<!tpu.dma_semaphore, #tpu.memory_space<semaphore_mem>>) src(%dma_wait3A_97 : memref<3872xf32, #tpu.memory_space<hbm>>) dst(%dma_wait3A_96 : memref<3872xf32, #tpu.memory_space<vmem>>)
    %dma_wait3A_98 = tpu.memref_slice %arg5[%mul3A_40] : memref<15488xf32, #tpu.memory_space<vmem>> -> memref<3872xf32, #tpu.memory_space<vmem>>
    %dma_wait3A_99 = tpu.memref_slice %arg2[%mul3A_40] : memref<15488xf32, #tpu.memory_space<hbm>> -> memref<3872xf32, #tpu.memory_space<hbm>>
    %dma_wait3A_100 = tpu.memref_slice %arg5[%mul3A_40] : memref<15488xf32, #tpu.memory_space<vmem>> -> memref<3872xf32, #tpu.memory_space<vmem>>
    %dma_wait3A_101 = tpu.memref_slice %arg2[%mul3A_40] : memref<15488xf32, #tpu.memory_space<hbm>> -> memref<3872xf32, #tpu.memory_space<hbm>>
    tpu.wait_dma2 semaphore(%arg8 : memref<!tpu.dma_semaphore, #tpu.memory_space<semaphore_mem>>) src(%dma_wait3A_101 : memref<3872xf32, #tpu.memory_space<hbm>>) dst(%dma_wait3A_100 : memref<3872xf32, #tpu.memory_space<vmem>>)
    %dma_wait3A_102 = tpu.memref_slice %arg5[%mul3A_64] : memref<15488xf32, #tpu.memory_space<vmem>> -> memref<3872xf32, #tpu.memory_space<vmem>>
    %dma_wait3A_103 = tpu.memref_slice %arg2[%mul3A_64] : memref<15488xf32, #tpu.memory_space<hbm>> -> memref<3872xf32, #tpu.memory_space<hbm>>
    %dma_wait3A_104 = tpu.memref_slice %arg5[%mul3A_64] : memref<15488xf32, #tpu.memory_space<vmem>> -> memref<3872xf32, #tpu.memory_space<vmem>>
    %dma_wait3A_105 = tpu.memref_slice %arg2[%mul3A_64] : memref<15488xf32, #tpu.memory_space<hbm>> -> memref<3872xf32, #tpu.memory_space<hbm>>
    tpu.wait_dma2 semaphore(%arg8 : memref<!tpu.dma_semaphore, #tpu.memory_space<semaphore_mem>>) src(%dma_wait3A_105 : memref<3872xf32, #tpu.memory_space<hbm>>) dst(%dma_wait3A_104 : memref<3872xf32, #tpu.memory_space<vmem>>)
    %dma_wait3A_106 = tpu.memref_slice %arg5[%mul3A_88] : memref<15488xf32, #tpu.memory_space<vmem>> -> memref<3872xf32, #tpu.memory_space<vmem>>
    %dma_wait3A_107 = tpu.memref_slice %arg2[%mul3A_88] : memref<15488xf32, #tpu.memory_space<hbm>> -> memref<3872xf32, #tpu.memory_space<hbm>>
    %dma_wait3A_108 = tpu.memref_slice %arg5[%mul3A_88] : memref<15488xf32, #tpu.memory_space<vmem>> -> memref<3872xf32, #tpu.memory_space<vmem>>
    %dma_wait3A_109 = tpu.memref_slice %arg2[%mul3A_88] : memref<15488xf32, #tpu.memory_space<hbm>> -> memref<3872xf32, #tpu.memory_space<hbm>>
    tpu.wait_dma2 semaphore(%arg8 : memref<!tpu.dma_semaphore, #tpu.memory_space<semaphore_mem>>) src(%dma_wait3A_109 : memref<3872xf32, #tpu.memory_space<hbm>>) dst(%dma_wait3A_108 : memref<3872xf32, #tpu.memory_space<vmem>>)
    %scan3A = arith.constant 0 : i32
    %scan3A_110 = arith.constant 8 : i32
    %scan3A_111 = arith.addi %scan3A, %scan3A_110 : i32
    %scan3A_112 = arith.constant 1 : i32
    scf.for %scan3A_120 = %scan3A to %scan3A_111 step %scan3A_112  : i32 {
      %parallel_loop3A = arith.constant 0 : i32
      %parallel_loop3A_121 = arith.constant 16 : i32
      %parallel_loop3A_122 = arith.constant 1 : i32
      scf.for %parallel_loop3A_134 = %parallel_loop3A to %parallel_loop3A_121 step %parallel_loop3A_122  : i32 {
        %parallel_loop3A_135 = arith.constant 3 : i32
        %parallel_loop3A_136 = arith.shrsi %parallel_loop3A_134, %parallel_loop3A_135 : i32
        %parallel_loop3A_137 = arith.constant 1024 : i32
        %parallel_loop3A_138 = arith.muli %parallel_loop3A_136, %parallel_loop3A_137 : i32
        %parallel_loop3A_139 = arith.constant 7 : i32
        %parallel_loop3A_140 = arith.andi %parallel_loop3A_134, %parallel_loop3A_139 : i32
        %parallel_loop3A_141 = arith.constant 16 : i32
        %parallel_loop3A_142 = arith.muli %parallel_loop3A_140, %parallel_loop3A_141 : i32
        %parallel_loop3A_143 = arith.addi %parallel_loop3A_138, %parallel_loop3A_142 : i32
        %parallel_loop3A_144 = arith.constant 128 : i32
        %parallel_loop3A_145 = arith.muli %scan3A_120, %parallel_loop3A_144 : i32
        %parallel_loop3A_146 = arith.addi %parallel_loop3A_143, %parallel_loop3A_145 : i32
        %parallel_loop3A_147 = arith.index_cast %parallel_loop3A_146 : i32 to index
        %parallel_loop3A_148 = tpu.vector_load %arg6[%parallel_loop3A_147] {strides = array<i32>} : memref<2048xi32, #tpu.memory_space<vmem>>, vector<16xi32>,
        %parallel_loop3A_149 = arith.constant 4096 : i32
        %parallel_loop3A_150 = arith.muli %scan3A_120, %parallel_loop3A_149 : i32
        %parallel_loop3A_151 = arith.addi %parallel_loop3A_150, %parallel_loop3A_143 : i32
        %parallel_loop3A_152 = arith.constant 0 : i32
        %parallel_loop3A_153 = vector.broadcast %parallel_loop3A_152 : i32 to vector<16xi32>
        %parallel_loop3A_154 = arith.addi %parallel_loop3A_148, %parallel_loop3A_153 : vector<16xi32>
        %parallel_loop3A_155 = tpu.vector_load_idx %arg5[%parallel_loop3A_154] : memref<15488xf32, #tpu.memory_space<vmem>>[vector<16xi32>], vector<16xf32>,
        %parallel_loop3A_156 = arith.constant 0 : i32
        %parallel_loop3A_157 = arith.addi %parallel_loop3A_151, %parallel_loop3A_156 : i32
        %parallel_loop3A_158 = arith.constant 0 : i32
        %parallel_loop3A_159 = arith.addi %parallel_loop3A_157, %parallel_loop3A_158 : i32
        %parallel_loop3A_160 = arith.index_cast %parallel_loop3A_159 : i32 to index
        %parallel_loop3A_161 = tpu.vector_load %arg7[%parallel_loop3A_160] {strides = array<i32>} : memref<32768xf32, #tpu.memory_space<vmem>>, vector<16xf32>,
        tpu.vector_store %arg7[%parallel_loop3A_160], %parallel_loop3A_155 {strides = array<i32>} : memref<32768xf32, #tpu.memory_space<vmem>>, vector<16xf32>,
        %parallel_loop3A_162 = arith.constant 968 : i32
        %parallel_loop3A_163 = vector.broadcast %parallel_loop3A_162 : i32 to vector<16xi32>
        %parallel_loop3A_164 = arith.addi %parallel_loop3A_148, %parallel_loop3A_163 : vector<16xi32>
        %parallel_loop3A_165 = tpu.vector_load_idx %arg5[%parallel_loop3A_164] : memref<15488xf32, #tpu.memory_space<vmem>>[vector<16xi32>], vector<16xf32>,
        %parallel_loop3A_166 = arith.constant 0 : i32
        %parallel_loop3A_167 = arith.addi %parallel_loop3A_151, %parallel_loop3A_166 : i32
        %parallel_loop3A_168 = arith.constant 128 : i32
        %parallel_loop3A_169 = arith.addi %parallel_loop3A_167, %parallel_loop3A_168 : i32
        %parallel_loop3A_170 = arith.index_cast %parallel_loop3A_169 : i32 to index
        %parallel_loop3A_171 = tpu.vector_load %arg7[%parallel_loop3A_170] {strides = array<i32>} : memref<32768xf32, #tpu.memory_space<vmem>>, vector<16xf32>,
        tpu.vector_store %arg7[%parallel_loop3A_170], %parallel_loop3A_165 {strides = array<i32>} : memref<32768xf32, #tpu.memory_space<vmem>>, vector<16xf32>,
        %parallel_loop3A_172 = arith.constant 1936 : i32
        %parallel_loop3A_173 = vector.broadcast %parallel_loop3A_172 : i32 to vector<16xi32>
        %parallel_loop3A_174 = arith.addi %parallel_loop3A_148, %parallel_loop3A_173 : vector<16xi32>
        %parallel_loop3A_175 = tpu.vector_load_idx %arg5[%parallel_loop3A_174] : memref<15488xf32, #tpu.memory_space<vmem>>[vector<16xi32>], vector<16xf32>,
        %parallel_loop3A_176 = arith.constant 0 : i32
        %parallel_loop3A_177 = arith.addi %parallel_loop3A_151, %parallel_loop3A_176 : i32
        %parallel_loop3A_178 = arith.constant 256 : i32
        %parallel_loop3A_179 = arith.addi %parallel_loop3A_177, %parallel_loop3A_178 : i32
        %parallel_loop3A_180 = arith.index_cast %parallel_loop3A_179 : i32 to index
        %parallel_loop3A_181 = tpu.vector_load %arg7[%parallel_loop3A_180] {strides = array<i32>} : memref<32768xf32, #tpu.memory_space<vmem>>, vector<16xf32>,
        tpu.vector_store %arg7[%parallel_loop3A_180], %parallel_loop3A_175 {strides = array<i32>} : memref<32768xf32, #tpu.memory_space<vmem>>, vector<16xf32>,
        %parallel_loop3A_182 = arith.constant 2904 : i32
        %parallel_loop3A_183 = vector.broadcast %parallel_loop3A_182 : i32 to vector<16xi32>
        %parallel_loop3A_184 = arith.addi %parallel_loop3A_148, %parallel_loop3A_183 : vector<16xi32>
        %parallel_loop3A_185 = tpu.vector_load_idx %arg5[%parallel_loop3A_184] : memref<15488xf32, #tpu.memory_space<vmem>>[vector<16xi32>], vector<16xf32>,
        %parallel_loop3A_186 = arith.constant 0 : i32
        %parallel_loop3A_187 = arith.addi %parallel_loop3A_151, %parallel_loop3A_186 : i32
        %parallel_loop3A_188 = arith.constant 384 : i32
        %parallel_loop3A_189 = arith.addi %parallel_loop3A_187, %parallel_loop3A_188 : i32
        %parallel_loop3A_190 = arith.index_cast %parallel_loop3A_189 : i32 to index
        %parallel_loop3A_191 = tpu.vector_load %arg7[%parallel_loop3A_190] {strides = array<i32>} : memref<32768xf32, #tpu.memory_space<vmem>>, vector<16xf32>,
        tpu.vector_store %arg7[%parallel_loop3A_190], %parallel_loop3A_185 {strides = array<i32>} : memref<32768xf32, #tpu.memory_space<vmem>>, vector<16xf32>,
        %parallel_loop3A_192 = arith.constant 3872 : i32
        %parallel_loop3A_193 = vector.broadcast %parallel_loop3A_192 : i32 to vector<16xi32>
        %parallel_loop3A_194 = arith.addi %parallel_loop3A_148, %parallel_loop3A_193 : vector<16xi32>
        %parallel_loop3A_195 = tpu.vector_load_idx %arg5[%parallel_loop3A_194] : memref<15488xf32, #tpu.memory_space<vmem>>[vector<16xi32>], vector<16xf32>,
        %parallel_loop3A_196 = arith.constant 0 : i32
        %parallel_loop3A_197 = arith.addi %parallel_loop3A_151, %parallel_loop3A_196 : i32
        %parallel_loop3A_198 = arith.constant 512 : i32
        %parallel_loop3A_199 = arith.addi %parallel_loop3A_197, %parallel_loop3A_198 : i32
        %parallel_loop3A_200 = arith.index_cast %parallel_loop3A_199 : i32 to index
        %parallel_loop3A_201 = tpu.vector_load %arg7[%parallel_loop3A_200] {strides = array<i32>} : memref<32768xf32, #tpu.memory_space<vmem>>, vector<16xf32>,
        tpu.vector_store %arg7[%parallel_loop3A_200], %parallel_loop3A_195 {strides = array<i32>} : memref<32768xf32, #tpu.memory_space<vmem>>, vector<16xf32>,
        %parallel_loop3A_202 = arith.constant 4840 : i32
        %parallel_loop3A_203 = vector.broadcast %parallel_loop3A_202 : i32 to vector<16xi32>
        %parallel_loop3A_204 = arith.addi %parallel_loop3A_148, %parallel_loop3A_203 : vector<16xi32>
        %parallel_loop3A_205 = tpu.vector_load_idx %arg5[%parallel_loop3A_204] : memref<15488xf32, #tpu.memory_space<vmem>>[vector<16xi32>], vector<16xf32>,
        %parallel_loop3A_206 = arith.constant 0 : i32
        %parallel_loop3A_207 = arith.addi %parallel_loop3A_151, %parallel_loop3A_206 : i32
        %parallel_loop3A_208 = arith.constant 640 : i32
        %parallel_loop3A_209 = arith.addi %parallel_loop3A_207, %parallel_loop3A_208 : i32
        %parallel_loop3A_210 = arith.index_cast %parallel_loop3A_209 : i32 to index
        %parallel_loop3A_211 = tpu.vector_load %arg7[%parallel_loop3A_210] {strides = array<i32>} : memref<32768xf32, #tpu.memory_space<vmem>>, vector<16xf32>,
        tpu.vector_store %arg7[%parallel_loop3A_210], %parallel_loop3A_205 {strides = array<i32>} : memref<32768xf32, #tpu.memory_space<vmem>>, vector<16xf32>,
        %parallel_loop3A_212 = arith.constant 5808 : i32
        %parallel_loop3A_213 = vector.broadcast %parallel_loop3A_212 : i32 to vector<16xi32>
        %parallel_loop3A_214 = arith.addi %parallel_loop3A_148, %parallel_loop3A_213 : vector<16xi32>
        %parallel_loop3A_215 = tpu.vector_load_idx %arg5[%parallel_loop3A_214] : memref<15488xf32, #tpu.memory_space<vmem>>[vector<16xi32>], vector<16xf32>,
        %parallel_loop3A_216 = arith.constant 0 : i32
        %parallel_loop3A_217 = arith.addi %parallel_loop3A_151, %parallel_loop3A_216 : i32
        %parallel_loop3A_218 = arith.constant 768 : i32
        %parallel_loop3A_219 = arith.addi %parallel_loop3A_217, %parallel_loop3A_218 : i32
        %parallel_loop3A_220 = arith.index_cast %parallel_loop3A_219 : i32 to index
        %parallel_loop3A_221 = tpu.vector_load %arg7[%parallel_loop3A_220] {strides = array<i32>} : memref<32768xf32, #tpu.memory_space<vmem>>, vector<16xf32>,
        tpu.vector_store %arg7[%parallel_loop3A_220], %parallel_loop3A_215 {strides = array<i32>} : memref<32768xf32, #tpu.memory_space<vmem>>, vector<16xf32>,
        %parallel_loop3A_222 = arith.constant 6776 : i32
        %parallel_loop3A_223 = vector.broadcast %parallel_loop3A_222 : i32 to vector<16xi32>
        %parallel_loop3A_224 = arith.addi %parallel_loop3A_148, %parallel_loop3A_223 : vector<16xi32>
        %parallel_loop3A_225 = tpu.vector_load_idx %arg5[%parallel_loop3A_224] : memref<15488xf32, #tpu.memory_space<vmem>>[vector<16xi32>], vector<16xf32>,
        %parallel_loop3A_226 = arith.constant 0 : i32
        %parallel_loop3A_227 = arith.addi %parallel_loop3A_151, %parallel_loop3A_226 : i32
        %parallel_loop3A_228 = arith.constant 896 : i32
        %parallel_loop3A_229 = arith.addi %parallel_loop3A_227, %parallel_loop3A_228 : i32
        %parallel_loop3A_230 = arith.index_cast %parallel_loop3A_229 : i32 to index
        %parallel_loop3A_231 = tpu.vector_load %arg7[%parallel_loop3A_230] {strides = array<i32>} : memref<32768xf32, #tpu.memory_space<vmem>>, vector<16xf32>,
        tpu.vector_store %arg7[%parallel_loop3A_230], %parallel_loop3A_225 {strides = array<i32>} : memref<32768xf32, #tpu.memory_space<vmem>>, vector<16xf32>,
        %parallel_loop3A_232 = arith.constant 7744 : i32
        %parallel_loop3A_233 = vector.broadcast %parallel_loop3A_232 : i32 to vector<16xi32>
        %parallel_loop3A_234 = arith.addi %parallel_loop3A_148, %parallel_loop3A_233 : vector<16xi32>
        %parallel_loop3A_235 = tpu.vector_load_idx %arg5[%parallel_loop3A_234] : memref<15488xf32, #tpu.memory_space<vmem>>[vector<16xi32>], vector<16xf32>,
        %parallel_loop3A_236 = arith.constant 2048 : i32
        %parallel_loop3A_237 = arith.addi %parallel_loop3A_151, %parallel_loop3A_236 : i32
        %parallel_loop3A_238 = arith.constant 0 : i32
        %parallel_loop3A_239 = arith.addi %parallel_loop3A_237, %parallel_loop3A_238 : i32
        %parallel_loop3A_240 = arith.index_cast %parallel_loop3A_239 : i32 to index
        %parallel_loop3A_241 = tpu.vector_load %arg7[%parallel_loop3A_240] {strides = array<i32>} : memref<32768xf32, #tpu.memory_space<vmem>>, vector<16xf32>,
        tpu.vector_store %arg7[%parallel_loop3A_240], %parallel_loop3A_235 {strides = array<i32>} : memref<32768xf32, #tpu.memory_space<vmem>>, vector<16xf32>,
        %parallel_loop3A_242 = arith.constant 8712 : i32
        %parallel_loop3A_243 = vector.broadcast %parallel_loop3A_242 : i32 to vector<16xi32>
        %parallel_loop3A_244 = arith.addi %parallel_loop3A_148, %parallel_loop3A_243 : vector<16xi32>
        %parallel_loop3A_245 = tpu.vector_load_idx %arg5[%parallel_loop3A_244] : memref<15488xf32, #tpu.memory_space<vmem>>[vector<16xi32>], vector<16xf32>,
        %parallel_loop3A_246 = arith.constant 2048 : i32
        %parallel_loop3A_247 = arith.addi %parallel_loop3A_151, %parallel_loop3A_246 : i32
        %parallel_loop3A_248 = arith.constant 128 : i32
        %parallel_loop3A_249 = arith.addi %parallel_loop3A_247, %parallel_loop3A_248 : i32
        %parallel_loop3A_250 = arith.index_cast %parallel_loop3A_249 : i32 to index
        %parallel_loop3A_251 = tpu.vector_load %arg7[%parallel_loop3A_250] {strides = array<i32>} : memref<32768xf32, #tpu.memory_space<vmem>>, vector<16xf32>,
        tpu.vector_store %arg7[%parallel_loop3A_250], %parallel_loop3A_245 {strides = array<i32>} : memref<32768xf32, #tpu.memory_space<vmem>>, vector<16xf32>,
        %parallel_loop3A_252 = arith.constant 9680 : i32
        %parallel_loop3A_253 = vector.broadcast %parallel_loop3A_252 : i32 to vector<16xi32>
        %parallel_loop3A_254 = arith.addi %parallel_loop3A_148, %parallel_loop3A_253 : vector<16xi32>
        %parallel_loop3A_255 = tpu.vector_load_idx %arg5[%parallel_loop3A_254] : memref<15488xf32, #tpu.memory_space<vmem>>[vector<16xi32>], vector<16xf32>,
        %parallel_loop3A_256 = arith.constant 2048 : i32
        %parallel_loop3A_257 = arith.addi %parallel_loop3A_151, %parallel_loop3A_256 : i32
        %parallel_loop3A_258 = arith.constant 256 : i32
        %parallel_loop3A_259 = arith.addi %parallel_loop3A_257, %parallel_loop3A_258 : i32
        %parallel_loop3A_260 = arith.index_cast %parallel_loop3A_259 : i32 to index
        %parallel_loop3A_261 = tpu.vector_load %arg7[%parallel_loop3A_260] {strides = array<i32>} : memref<32768xf32, #tpu.memory_space<vmem>>, vector<16xf32>,
        tpu.vector_store %arg7[%parallel_loop3A_260], %parallel_loop3A_255 {strides = array<i32>} : memref<32768xf32, #tpu.memory_space<vmem>>, vector<16xf32>,
        %parallel_loop3A_262 = arith.constant 10648 : i32
        %parallel_loop3A_263 = vector.broadcast %parallel_loop3A_262 : i32 to vector<16xi32>
        %parallel_loop3A_264 = arith.addi %parallel_loop3A_148, %parallel_loop3A_263 : vector<16xi32>
        %parallel_loop3A_265 = tpu.vector_load_idx %arg5[%parallel_loop3A_264] : memref<15488xf32, #tpu.memory_space<vmem>>[vector<16xi32>], vector<16xf32>,
        %parallel_loop3A_266 = arith.constant 2048 : i32
        %parallel_loop3A_267 = arith.addi %parallel_loop3A_151, %parallel_loop3A_266 : i32
        %parallel_loop3A_268 = arith.constant 384 : i32
        %parallel_loop3A_269 = arith.addi %parallel_loop3A_267, %parallel_loop3A_268 : i32
        %parallel_loop3A_270 = arith.index_cast %parallel_loop3A_269 : i32 to index
        %parallel_loop3A_271 = tpu.vector_load %arg7[%parallel_loop3A_270] {strides = array<i32>} : memref<32768xf32, #tpu.memory_space<vmem>>, vector<16xf32>,
        tpu.vector_store %arg7[%parallel_loop3A_270], %parallel_loop3A_265 {strides = array<i32>} : memref<32768xf32, #tpu.memory_space<vmem>>, vector<16xf32>,
        %parallel_loop3A_272 = arith.constant 11616 : i32
        %parallel_loop3A_273 = vector.broadcast %parallel_loop3A_272 : i32 to vector<16xi32>
        %parallel_loop3A_274 = arith.addi %parallel_loop3A_148, %parallel_loop3A_273 : vector<16xi32>
        %parallel_loop3A_275 = tpu.vector_load_idx %arg5[%parallel_loop3A_274] : memref<15488xf32, #tpu.memory_space<vmem>>[vector<16xi32>], vector<16xf32>,
        %parallel_loop3A_276 = arith.constant 2048 : i32
        %parallel_loop3A_277 = arith.addi %parallel_loop3A_151, %parallel_loop3A_276 : i32
        %parallel_loop3A_278 = arith.constant 512 : i32
        %parallel_loop3A_279 = arith.addi %parallel_loop3A_277, %parallel_loop3A_278 : i32
        %parallel_loop3A_280 = arith.index_cast %parallel_loop3A_279 : i32 to index
        %parallel_loop3A_281 = tpu.vector_load %arg7[%parallel_loop3A_280] {strides = array<i32>} : memref<32768xf32, #tpu.memory_space<vmem>>, vector<16xf32>,
        tpu.vector_store %arg7[%parallel_loop3A_280], %parallel_loop3A_275 {strides = array<i32>} : memref<32768xf32, #tpu.memory_space<vmem>>, vector<16xf32>,
        %parallel_loop3A_282 = arith.constant 12584 : i32
        %parallel_loop3A_283 = vector.broadcast %parallel_loop3A_282 : i32 to vector<16xi32>
        %parallel_loop3A_284 = arith.addi %parallel_loop3A_148, %parallel_loop3A_283 : vector<16xi32>
        %parallel_loop3A_285 = tpu.vector_load_idx %arg5[%parallel_loop3A_284] : memref<15488xf32, #tpu.memory_space<vmem>>[vector<16xi32>], vector<16xf32>,
        %parallel_loop3A_286 = arith.constant 2048 : i32
        %parallel_loop3A_287 = arith.addi %parallel_loop3A_151, %parallel_loop3A_286 : i32
        %parallel_loop3A_288 = arith.constant 640 : i32
        %parallel_loop3A_289 = arith.addi %parallel_loop3A_287, %parallel_loop3A_288 : i32
        %parallel_loop3A_290 = arith.index_cast %parallel_loop3A_289 : i32 to index
        %parallel_loop3A_291 = tpu.vector_load %arg7[%parallel_loop3A_290] {strides = array<i32>} : memref<32768xf32, #tpu.memory_space<vmem>>, vector<16xf32>,
        tpu.vector_store %arg7[%parallel_loop3A_290], %parallel_loop3A_285 {strides = array<i32>} : memref<32768xf32, #tpu.memory_space<vmem>>, vector<16xf32>,
        %parallel_loop3A_292 = arith.constant 13552 : i32
        %parallel_loop3A_293 = vector.broadcast %parallel_loop3A_292 : i32 to vector<16xi32>
        %parallel_loop3A_294 = arith.addi %parallel_loop3A_148, %parallel_loop3A_293 : vector<16xi32>
        %parallel_loop3A_295 = tpu.vector_load_idx %arg5[%parallel_loop3A_294] : memref<15488xf32, #tpu.memory_space<vmem>>[vector<16xi32>], vector<16xf32>,
        %parallel_loop3A_296 = arith.constant 2048 : i32
        %parallel_loop3A_297 = arith.addi %parallel_loop3A_151, %parallel_loop3A_296 : i32
        %parallel_loop3A_298 = arith.constant 768 : i32
        %parallel_loop3A_299 = arith.addi %parallel_loop3A_297, %parallel_loop3A_298 : i32
        %parallel_loop3A_300 = arith.index_cast %parallel_loop3A_299 : i32 to index
        %parallel_loop3A_301 = tpu.vector_load %arg7[%parallel_loop3A_300] {strides = array<i32>} : memref<32768xf32, #tpu.memory_space<vmem>>, vector<16xf32>,
        tpu.vector_store %arg7[%parallel_loop3A_300], %parallel_loop3A_295 {strides = array<i32>} : memref<32768xf32, #tpu.memory_space<vmem>>, vector<16xf32>,
        %parallel_loop3A_302 = arith.constant 14520 : i32
        %parallel_loop3A_303 = vector.broadcast %parallel_loop3A_302 : i32 to vector<16xi32>
        %parallel_loop3A_304 = arith.addi %parallel_loop3A_148, %parallel_loop3A_303 : vector<16xi32>
        %parallel_loop3A_305 = tpu.vector_load_idx %arg5[%parallel_loop3A_304] : memref<15488xf32, #tpu.memory_space<vmem>>[vector<16xi32>], vector<16xf32>,
        %parallel_loop3A_306 = arith.constant 2048 : i32
        %parallel_loop3A_307 = arith.addi %parallel_loop3A_151, %parallel_loop3A_306 : i32
        %parallel_loop3A_308 = arith.constant 896 : i32
        %parallel_loop3A_309 = arith.addi %parallel_loop3A_307, %parallel_loop3A_308 : i32
        %parallel_loop3A_310 = arith.index_cast %parallel_loop3A_309 : i32 to index
        %parallel_loop3A_311 = tpu.vector_load %arg7[%parallel_loop3A_310] {strides = array<i32>} : memref<32768xf32, #tpu.memory_space<vmem>>, vector<16xf32>,
        tpu.vector_store %arg7[%parallel_loop3A_310], %parallel_loop3A_305 {strides = array<i32>} : memref<32768xf32, #tpu.memory_space<vmem>>, vector<16xf32>,
      } {sc.loop_unroll_factor = 2 : i64, sc.parallel_access}
      %mul3A_123 = arith.constant 4096 : i32
      %mul3A_124 = arith.muli %scan3A_120, %mul3A_123 : i32
      %mul3A_125 = arith.constant 8 : i32
      %mul3A_126 = arith.muli %add3A, %mul3A_125 : i32
      %add3A_127 = arith.addi %mul3A_126, %scan3A_120 : i32
      %mul3A_128 = arith.constant 4096 : i32
      %mul3A_129 = arith.muli %add3A_127, %mul3A_128 : i32
      %dma_start3A_130 = tpu.memref_slice %arg7[%mul3A_124] : memref<32768xf32, #tpu.memory_space<vmem>> -> memref<4096xf32, #tpu.memory_space<vmem>>
      %dma_start3A_131 = tpu.memref_slice %arg4[%mul3A_129] : memref<1048576xf32, #tpu.memory_space<hbm>> -> memref<4096xf32, #tpu.memory_space<hbm>>
      %dma_start3A_132 = tpu.memref_slice %arg4[%mul3A_129] : memref<1048576xf32, #tpu.memory_space<hbm>> -> memref<4096xf32, #tpu.memory_space<hbm>>
      %dma_start3A_133 = tpu.memref_slice %arg7[%mul3A_124] : memref<32768xf32, #tpu.memory_space<vmem>> -> memref<4096xf32, #tpu.memory_space<vmem>>
      tpu.enqueue_dma source(%dma_start3A_133 : memref<4096xf32, #tpu.memory_space<vmem>>) target(%dma_start3A_132 : memref<4096xf32, #tpu.memory_space<hbm>>) target_semaphore(%arg9 : memref<!tpu.dma_semaphore, #tpu.memory_space<semaphore_mem>>)
    }
    %scan3A_113 = arith.constant 8 : i32
    %mul3A_114 = arith.constant 8 : i32
    %mul3A_115 = arith.muli %add3A, %mul3A_114 : i32
    %mul3A_116 = arith.constant 4096 : i32
    %mul3A_117 = arith.muli %mul3A_115, %mul3A_116 : i32
    %dma_wait3A_118 = tpu.memref_slice %arg4[%mul3A_117] : memref<1048576xf32, #tpu.memory_space<hbm>> -> memref<32768xf32, #tpu.memory_space<hbm>>
    %dma_wait3A_119 = tpu.memref_slice %arg4[%mul3A_117] : memref<1048576xf32, #tpu.memory_space<hbm>> -> memref<32768xf32, #tpu.memory_space<hbm>>
    tpu.wait_dma2 semaphore(%arg9 : memref<!tpu.dma_semaphore, #tpu.memory_space<semaphore_mem>>) src(%dma_wait3A_119 : memref<32768xf32, #tpu.memory_space<hbm>>) dst(%arg7 : memref<32768xf32, #tpu.memory_space<vmem>>)
    return
  }
}

</mosaic_0001>

<sc_bundles>
// kernel: kernel.3.cloned.1.call-start
scs
__scs_entry_jumppad:
0x0: {  	(pc) =	sbr.rel $0x88, $3  }
0x1: {  	(tag) =	ssettag $0x0;
	lr =	simm.s32 $0x1  }
0x2: {  	[smem:$0x3F9F] =	sst lr;
	_ =	strace $0xD0000000  }
0x3: {  	_ = 	snop  }
0x4: {  	_ = 	snop  }
0x5: {  	_ = 	snop  }
0x6: {  	_ = 	snop  }
0x7: {  	_ = 	snop  }
__scs_overlays_trampoline_lowered:
0x8: {  	[smem:$0x3FAE] =	sst s0  }
0x9: {  	[smem:$0x3FAF] =	sst s1  }
0xa: {  	[smem:$0x3FB0] =	sst s2  }
0xb: {  	[smem:$0x3FB1] =	sst s3  }
0xc: {  	[smem:$0x3FB2] =	sst s4  }
0xd: {  	[smem:$0x3FB3] =	sst s5  }
0xe: {  	[smem:$0x3FB4] =	sst s6  }
0xf: {  	[smem:$0x3FB5] =	sst s7  }
0x10: {  	[smem:$0x3FB6] =	sst s8  }
0x11: {  	[smem:$0x3FB7] =	sst s9;
	s0 =	simm.s32 @!p0 $0x0  }
0x12: {  	s1 =	sld [smem:$0x3F9D];
	s0 =	simm.s32 @p0 $0x1  }
0x13: {  	[smem:$0x3FB8] =	sst s0;
	s0 =	simm.s32 @!p1 $0x0  }
0x14: {  	s2 =	sld [smem:$0x3F9C];
	s0 =	simm.s32 @p1 $0x1  }
0x15: {  	[smem:$0x3FB9] =	sst s0;
	s0 =	simm.s32 @!p2 $0x0  }
0x16: {  	s3 =	sld [smem:$0x3FDB];
	s0 =	simm.s32 @p2 $0x1  }
0x17: {  	s4 =	simm.s32 $0x1BF5;
	[smem:$0x3FBB] =	sst s0  }
0x18: {  	s0 =	sld [smem:$0x3F9E];
	_ =	swait.ge [sflag:s4], $0x0  }
0x19: {  	s7 =	sld [smem:$0x3F9F]  }
0x1a: {  	s8 =	sadd.s32 $0xFFFFE003, lr  }
0x1b: {  	s9 =	sadd.s32 $0xFFFFFEF7, lr;
	s5 =	simm.s32 $0xFFFFFFFF;
	p2 =	slt.u32 s8, $0xFFFFF086  }
0x1c: {  	p1 =	slt.u32 s9, $0xF7A;
	s5 =	simm.s32 @!p2 $0x0  }
0x1d: {  	s5 =	simm.s32 @p1 $0x1;
	p0 =	seq.s32 s7, s2  }
0x1e: {  	s7 =	smul.u32 @!p0 $0xF7A, s2;
	p2 =	seq.s32 @!p0 s5, $0x0  }
0x1f: {  	s9 =	smul.u32 $0xF7A, s1;
	s8 =	simm.s32 @!p0 $0x1BF5;
	p2 =	por !p2, p0  }
0x20: {  	[sflag:s8] =	ssyncset.s32 @!p0 $0xFFFFF086;
	s6 =	sadd.s32 @!p0 s3, s7;
	s7 =	simm.s32 @!p0 $0x108  }
0x21: {  	s3 =	sadd.s32 s3, s9;
	s6 =	sadd.s32 @!p0 $0x88, s6;
	s7 =	simm.s32 @p2 $0x1082  }
0x22: {  	[simem:s7], [sflag:s8] =	dma.local @!p0 [hbm:s6], $0xF7A  }
0x23: {  	s9 =	sor.u32 $0xD0000000, s2;
	s6 =	simm.s32 $0x108;
	_ =	swait.ge @!p0 [sflag:s8], $0x0  }
0x24: {  	s3 =	sadd.s32 $0x88, s3;
	s6 =	simm.s32 @!p1 $0x1082;
	[sflag:s4] =	ssyncset.s32 $0xFFFFF086  }
0x25: {  	[simem:s6], [sflag:s4] =	dma.local [hbm:s3], $0xF7A  }
0x26: {  	[smem:$0x3F9F] =	sst s1;
	(tag) =	ssettag s2;
	_ =	strace s9  }
0x27: {  	s1 =	sld [smem:$0x3FAF]  }
0x28: {  	s2 =	sld [smem:$0x3FB0]  }
0x29: {  	s4 =	sld [smem:$0x3FB2]  }
0x2a: {  	p0 =	seq.s32 s5, $0x0;
	s5 =	sld [smem:$0x3FB3]  }
0x2b: {  	s6 =	sld [smem:$0x3FB4]  }
0x2c: {  	s7 =	sld [smem:$0x3FB5]  }
0x2d: {  	s3 =	simm.s32 $0x108;
	s8 =	sld [smem:$0x3FB6]  }
0x2e: {  	s3 =	simm.s32 @!p0 $0x1082;
	s9 =	sld [smem:$0x3FB7]  }
0x2f: {  	lr =	sadd.s32 s0, s3;
	s0 =	sld [smem:$0x3FAE]  }
0x30: {  	s3 =	sld [smem:$0x3FB1]  }
0x31: {  	[smem:$0x3FBA] =	sst s10  }
0x32: {  	s10 =	sld [smem:$0x3FB8];
	_ =	sdelay $0x3  }
0x33: {  	p0 =	seq.s32 s10, $0x1;
	s10 =	sld [smem:$0x3FBA];
	_ =	sdelay $0x3  }
0x34: {  	[smem:$0x3FBA] =	sst s10  }
0x35: {  	s10 =	sld [smem:$0x3FB9];
	_ =	sdelay $0x3  }
0x36: {  	p1 =	seq.s32 s10, $0x1;
	s10 =	sld [smem:$0x3FBA];
	_ =	sdelay $0x3  }
0x37: {  	[smem:$0x3FBA] =	sst s10  }
0x38: {  	s10 =	sld [smem:$0x3FBB]  }
0x39: {  	_ = 	snop;
	(pc) =	sbr.ind lr, $3  }
0x3a: {  	_ = 	snop  }
0x3b: {  	_ = 	snop  }
0x3c: {  	p2 =	seq.s32 s10, $0x1;
	s10 =	sld [smem:$0x3FBA]  }
0x3d: {  	_ =	shalt  }
0x3e: {  	_ =	shalt  }
0x3f: {  	_ =	shalt  }
0x40: {  	_ =	shalt  }
0x41: {  	_ =	shalt  }
0x42: {  	_ =	shalt  }
0x43: {  	_ =	shalt  }
0x44: {  	_ =	shalt  }
0x45: {  	_ =	shalt  }
0x46: {  	_ =	shalt  }
0x47: {  	_ =	shalt  }
0x48: {  	_ =	shalt  }
0x49: {  	_ =	shalt  }
0x4a: {  	_ =	shalt  }
0x4b: {  	_ =	shalt  }
0x4c: {  	_ =	shalt  }
0x4d: {  	_ =	shalt  }
0x4e: {  	_ =	shalt  }
0x4f: {  	_ =	shalt  }
0x50: {  	_ =	shalt  }
0x51: {  	_ =	shalt  }
0x52: {  	_ =	shalt  }
0x53: {  	_ =	shalt  }
0x54: {  	_ =	shalt  }
0x55: {  	_ =	shalt  }
0x56: {  	_ =	shalt  }
0x57: {  	_ =	shalt  }
0x58: {  	_ =	shalt  }
0x59: {  	_ =	shalt  }
0x5a: {  	_ =	shalt  }
0x5b: {  	_ =	shalt  }
0x5c: {  	_ =	shalt  }
0x5d: {  	_ =	shalt  }
0x5e: {  	_ =	shalt  }
0x5f: {  	_ =	shalt  }
0x60: {  	_ =	shalt  }
0x61: {  	_ =	shalt  }
0x62: {  	_ =	shalt  }
0x63: {  	_ =	shalt  }
0x64: {  	_ =	shalt  }
0x65: {  	_ =	shalt  }
0x66: {  	_ =	shalt  }
0x67: {  	_ =	shalt  }
0x68: {  	_ =	shalt  }
0x69: {  	_ =	shalt  }
0x6a: {  	_ =	shalt  }
0x6b: {  	_ =	shalt  }
0x6c: {  	_ =	shalt  }
0x6d: {  	_ =	shalt  }
0x6e: {  	_ =	shalt  }
0x6f: {  	_ =	shalt  }
0x70: {  	_ =	shalt  }
0x71: {  	_ =	shalt  }
0x72: {  	_ =	shalt  }
0x73: {  	_ =	shalt  }
0x74: {  	_ =	shalt  }
0x75: {  	_ =	shalt  }
0x76: {  	_ =	shalt  }
0x77: {  	_ =	shalt  }
0x78: {  	_ =	shalt  }
0x79: {  	_ =	shalt  }
0x7a: {  	_ =	shalt  }
0x7b: {  	_ =	shalt  }
0x7c: {  	_ =	shalt  }
0x7d: {  	_ =	shalt  }
0x7e: {  	_ =	shalt  }
0x7f: {  	_ =	shalt  }
0x80: {  	_ =	shalt  }
0x81: {  	_ =	shalt  }
0x82: {  	_ =	shalt  }
0x83: {  	_ =	shalt  }
0x84: {  	_ =	shalt  }
0x85: {  	_ =	shalt  }
0x86: {  	_ =	shalt  }
0x87: {  	_ =	shalt  }
.Lfunc_end0:
.L_simem_size_0:
called_computation_lowered:
.L_overlay_start_0:
0x88: {  	s2 =	sld [smem:$0x3FD9]  }
0x89: {  	s3 =	sld [smem:$0x3FFE];
	_ =	sdelay $0x1  }
0x8a: {  	s1 =	srdreg.scid  }
0x8b: {  	s0 =	sand.u32 $0x1, s1  }
0x8c: {  	s17 =	sshll.u32 s0, $0xA;
	s2 =	sadd.s32 s3, s2  }
0x8d: {  	s2 =	sadd.s32 s2, s17  }
0x8e: {  	[smem:$0x3FC6] =	sst s2  }
0x8f: {  	_ = 	snop  }
0x90: {  	s2 =	sld [smem:$0x3FC8]  }
0x91: {  	s18 =	sld [smem:$0x3FD0];
	(tm) =	ssettm $0x1  }
0x92: {  	s4 =	sld [smem:$0x3FFB];
	_ =	sdelay $0x3  }
0x93: {  	_ =	strace s4  }
0x94: {  	s4 =	sld [smem:$0x3FFC];
	_ =	sdelay $0x3  }
0x95: {  	_ =	strace s4  }
0x96: {  	s4 =	sld [smem:$0x3FFD];
	_ =	sdelay $0x3  }
0x97: {  	_ =	strace s4  }
0x98: {  	_ =	strace $0x8FFFFFFF  }
0x99: {  	s19 =	sld [smem:$0x3FDB];
	_ =	sdelay $0x1  }
0x9a: {  	s5 =	simm.s32 $_scs_section_size  }
0x9b: {  	s6 =	simm.s32 $_size__tile_overlayer_lowered;
	s7 =	simm.s32 $_tile_overlayer_lowered  }
0x9c: {  	s22 =	simm.s32 $0x1BFF;
	s21 =	sshll.u32 s7, $0x1;
	s4 =	sadd.s32 s5, s19  }
0x9d: {  	s8 =	simm.s32 $0x0;
	s20 =	sshll.u32 s6, $0x1;
	s6 =	sadd.s32 s21, s4  }
0x9e: {  	[timem:s8], [sflag:s22] =	dma.local [hbm:s6], s20  }
0x9f: {  	_ =	swait.ge [sflag:s22], s20  }
0xa0: {  	s5 =	ssub.s32 $0x0, s20;
	[sflag:s22] =	ssyncset.done $0x0  }
0xa1: {  	[sflag:s22] =	ssyncadd.s32 s5;
	_ =	sdelay $0x1  }
0xa2: {  	s23 =	simm.s32 $0x1B8B  }
0xa3: {  	_ =	swait.ge [sflag:s23], $0x1  }
0xa4: {  	[sflag:s23] =	ssyncset.done $0x0  }
0xa5: {  	s25 =	simm.s32 $0x1B8E;
	s24 =	sld [smem:$0x3FFE];
	[sflag:s23] =	ssyncadd.s32 $0xFFFFFFFF  }
0xa6: {  	s26 =	simm.s32 $execute0_lowered;
	[smem:$0x3FD2] =	sst s25  }
0xa7: {  	s6 =	sshll.u32 s26, $0x1;
	_ =	strace $0x80000046;
	[dreg:$0x1] =	wrdreg $0xFFFFFFFF  }
0xa8: {  	s28 =	simm.s32 $_size_execute0_lowered;
	s4 =	sadd.s32 s4, s6;
	[dreg:$0x0] =	wrdreg $0x0  }
0xa9: {  	s6 =	sshll.u32 s28, $0x1;
	[dreg:$0x2] =	wrdreg s4  }
0xaa: {  	[dreg:$0x3] =	wrdreg s6  }
0xab: {  	[dreg:$0x4] =	wrdreg $0xC0  }
0xac: {  	_ =	task [dreg:s8], $0x5FFFF  }
0xad: {  	[dreg:$0x1] =	wrdreg $0xFFFFFFFF  }
0xae: {  	[dreg:$0x0] =	wrdreg $0x60  }
0xaf: {  	[dreg:$0x2] =	wrdreg s24  }
0xb0: {  	[dreg:$0x3] =	wrdreg s2  }
0xb1: {  	[dreg:$0x4] =	wrdreg s18  }
0xb2: {  	[dreg:$0x5] =	wrdreg $0x9  }
0xb3: {  	_ =	task.clear_ibuf [dreg:s8], $0x6FFFF;
	_ =	strace $0x90000046  }
0xb4: {  	s29 =	simm.s32 $0x9;
	_ =	strace $0x80000048  }
0xb5: {  	_ =	swait.ge [sflag:s29], $0x1  }
0xb6: {  	[sflag:s29] =	ssyncadd.s32 $0xFFFFFFFF  }
0xb7: {  	_ =	strace $0x90000048  }
0xb8: {  	_ =	sfence  }
0xb9: {  	s30 =	sld [smem:$0x0];
	_ =	sdelay $0x2  }
0xba: {  	s31 =	sshll.u32 s1, $0xD;
	s1 =	sshrl.u32 s1, $0x2  }
0xbb: {  	s3 =	sand.u32 $0x4000, s31;
	s1 =	sadd.s32 s1, s30  }
0xbc: {  	s0 =	sor.u32 s3, s0;
	s1 =	sshll.u32 s1, $0x11  }
0xbd: {  	s0 =	sor.u32 s1, s0  }
0xbe: {  	s0 =	sadd.s32 $0x8F2B, s0  }
0xbf: {  	[sflag:s0] =	ssyncadd.remote.s32 $0x1  }
0xc0: {  	_ =	sfence.sel $0xFFFF  }
0xc1: {  	[dreg:$0x0] =	wrdreg $0xFFFFFFFF;
	(pc) =	sbr.abs _section_cstart, $3  }
0xc2: {  	[dreg:$0x1] =	wrdreg $0xFFFFFFFF  }
0xc3: {  	_ =	task.clear_ibuf [dreg:s8], $0x2FFFF;
	_ =	strace $0x9FFFFFFF  }
0xc4: {  	(tm) =	ssettm $0x7FFFFFFF  }
0xc5: {  	_ =	shalt  }
tec
execute0_lowered:
.L_overlay_start_1:
0x0: {  	(tag) =	ssettag $0x1  }
0x1: {  	s0 =	rddreg [dreg:$0x0]  }
0x2: {  	s7 =	rddreg [dreg:$0x1]  }
0x3: {  	s12 =	rddreg [dreg:$0x2]  }
0x4: {  	s2 =	simm.s32 $0x0;
	s3 =	srdreg.scid;
	s1 =	stileid.u32  }
0x5: {  	s15 =	simm.s32 $0x1;
	s16 =	simm.s32 $0x2;
	s17 =	simm.s32 $0x0  }
0x6: {  	[smem:$0x7FF] =	sst s2;
	s3 =	sand.u32 $0x1, s3;
	s4 =	sshll.u32 s1, $0x1  }
0x7: {  	s0 =	sadd.s32 $0x400, s0;
	_ =	strace $0x80000047;
	s13 =	sor.u32 s3, s4  }
0x8: {  	s5 =	ssub.s32 $0x2, s3;
	s6 =	sand.u32 $0x3, s13;
	s4 =	sadd.s32 $0x1, s13  }
0x9: {  	s8 =	sshrl.u32 s5, $0x1;
	s9 =	sadd.s32 $0xFFFFFFFF, s13;
	s28 =	sshll.u32 s13, $0x8  }
0xa: {  	s31 =	sshll.u32 s13, $0xC;
	s3 =	smul.u32 $0xF20, s6;
	s4 =	sand.u32 $0x3, s4  }
0xb: {  	s6 =	sxor.u32 $0x2, s6;
	s14 =	ssub.s32 s5, s8;
	s4 =	smul.u32 $0xF20, s4  }
0xc: {  	s26 =	sand.u32 $0x3, s9;
	s7 =	sadd.s32 s7, s28;
	s5 =	smul.u32 $0xF20, s6  }
0xd: {  	s12 =	sadd.s32 s12, s31;
	s6 =	smul.u32 $0xF20, s26;
	s29 =	sshrl.u32 s3, $0x3  }
0xe: {  	s13 =	smax.u32 s14, $0x1;
	s14 =	simm.s32 $0x3C80;
	s8 =	sadd.s32 s0, s29  }
0xf: {  	s30 =	sshrl.u32 s4, $0x3;
	s10 =	sshrl.u32 s5, $0x3;
	s11 =	sshrl.u32 s6, $0x3  }
0x10: {  	s9 =	sadd.s32 s0, s30;
	s10 =	sadd.s32 s0, s10;
	s11 =	sadd.s32 s0, s11  }
.LBB2_1:
0x11: {  	[tilespmem:s14], [sflag:$0x1] =	stream.linear.gather [hbm4b:s7+s2], $0x800, $0x38;
	[tilespmem:$0xC480] =	vst v63  }
0x12: {  	_ = 	snop  }
0x13: {  	[tilespmem:s3], [sflag:$0x1] =	stream.linear.gather [hbm4b:s8+s2], $0xF20, $0x38;
	[tilespmem:$0xC480] =	vst v63  }
0x14: {  	_ = 	snop  }
0x15: {  	[tilespmem:s4], [sflag:$0x1] =	stream.linear.gather [hbm4b:s9+s2], $0xF20, $0x38;
	[tilespmem:$0xC480] =	vst v63  }
0x16: {  	_ = 	snop  }
0x17: {  	[tilespmem:s5], [sflag:$0x1] =	stream.linear.gather [hbm4b:s10+s2], $0xF20, $0x38;
	[tilespmem:$0xC480] =	vst v63  }
0x18: {  	_ = 	snop  }
0x19: {  	[tilespmem:s6], [sflag:$0x1] =	stream.linear.gather [hbm4b:s11+s2], $0xF20, $0x38;
	[tilespmem:$0xC480] =	vst v63  }
0x1a: {  	_ =	swait.ge [sflag:s15], $0x800  }
0x1b: {  	[sflag:s15] =	ssyncset.done $0x0  }
0x1c: {  	[sflag:s15] =	ssyncadd.s32 $0xFFFFF800  }
0x1d: {  	_ =	swait.ge [sflag:s15], $0xF20  }
0x1e: {  	[sflag:s15] =	ssyncset.done $0x0  }
0x1f: {  	[sflag:s15] =	ssyncadd.s32 $0xFFFFF0E0  }
0x20: {  	_ =	swait.ge [sflag:s15], $0xF20  }
0x21: {  	[sflag:s15] =	ssyncset.done $0x0  }
0x22: {  	[sflag:s15] =	ssyncadd.s32 $0xFFFFF0E0  }
0x23: {  	_ =	swait.ge [sflag:s15], $0xF20  }
0x24: {  	[sflag:s15] =	ssyncset.done $0x0  }
0x25: {  	[sflag:s15] =	ssyncadd.s32 $0xFFFFF0E0  }
0x26: {  	_ =	swait.ge [sflag:s15], $0xF20  }
0x27: {  	[sflag:s15] =	ssyncset.done $0x0  }
0x28: {  	s18 =	simm.s32 $0x0;
	[sflag:s15] =	ssyncadd.s32 $0xFFFFF0E0  }
.LBB2_2:
0x29: {  	s19 =	sshll.u32 s18, $0x9  }
0x2a: {  	s0 =	sshra.s32 s19, $0x2  }
0x2b: {  	s0 =	sadd.s32 $0x3C80, s0  }
0x2c: {  	v2 =	vmov s0  }
0x2d: {  	s23 =	simm.s32 $0x0  }
0x2e: {  	s20 =	sand.u32 $0x400, s23;
	s0 =	sand.u32 $0x60, s23  }
0x2f: {  	s21 =	sor.u32 s0, s20  }
0x30: {  	s29 =	sor.u32 $0x10, s21  }
0x31: {  	v6 =	vld.idx.msk [tilespmem:v2+s29+$0x0 ss:$0x1], $0xffff  }
0x32: {  	v5 =	vld.idx.msk [tilespmem:v2+s21+$0x0 ss:$0x1], $0xffff;
	_ =	sdelay $0x3  }
0x33: {  	s24 =	sshll.u32 s18, $0xE  }
0x34: {  	s0 =	sshra.s32 s24, $0x2  }
0x35: {  	s20 =	sadd.s32 $0x4480, s0  }
0x36: {  	v0 =	vmov s20;
	v1 =	vld.idx.msk [tilespmem:v6+s2+$0x0], $0xffff  }
0x37: {  	v4 =	vadd.s32 $0x3C8, v6;
	v3 =	vld.idx.msk [tilespmem:v5+s2+$0x0], $0xffff  }
0x38: {  	v7 =	vadd.s32 $0x3C8, v5;
	_ =	sdelay $0x2  }
0x39: {  	[tilespmem:v0+s29+$0x0 ss:$0x1] =	vst.idx.msk $0xffff, v1  }
0x3a: {  	[tilespmem:v0+s21+$0x0 ss:$0x1] =	vst.idx.msk $0xffff, v3;
	v1 =	vld.idx.msk [tilespmem:v4+s2+$0x0], $0xffff  }
0x3b: {  	v3 =	vld.idx.msk [tilespmem:v7+s2+$0x0], $0xffff;
	v4 =	vadd.s32 $0x790, v6  }
0x3c: {  	v7 =	vadd.s32 $0x790, v5;
	_ =	sdelay $0x2  }
0x3d: {  	[tilespmem:v0+s29+$0x80 ss:$0x1] =	vst.idx.msk $0xffff, v1  }
0x3e: {  	[tilespmem:v0+s21+$0x80 ss:$0x1] =	vst.idx.msk $0xffff, v3;
	v1 =	vld.idx.msk [tilespmem:v4+s2+$0x0], $0xffff  }
0x3f: {  	v3 =	vld.idx.msk [tilespmem:v7+s2+$0x0], $0xffff;
	v4 =	vadd.s32 $0xB58, v6  }
0x40: {  	v7 =	vadd.s32 $0xB58, v5;
	_ =	sdelay $0x2  }
0x41: {  	s25 =	simm.s32 $0x20;
	s22 =	simm.s32 $0x100;
	[tilespmem:v0+s29+$0x100 ss:$0x1] =	vst.idx.msk $0xffff, v1  }
0x42: {  	s22 =	sand.u32 $0x400, s22;
	s0 =	sand.u32 $0x60, s25;
	[tilespmem:v0+s21+$0x100 ss:$0x1] =	vst.idx.msk $0xffff, v3;
	v3 =	vld.idx.msk [tilespmem:v4+s2+$0x0], $0xffff  }
0x43: {  	s22 =	sor.u32 s0, s22;
	v8 =	vadd.s32 $0xF20, v6;
	v4 =	vld.idx.msk [tilespmem:v7+s2+$0x0], $0xffff  }
0x44: {  	s23 =	sor.u32 $0x10, s22;
	v7 =	vld.idx.msk [tilespmem:v2+s22+$0x0 ss:$0x1], $0xffff  }
0x45: {  	v1 =	vld.idx.msk [tilespmem:v2+s23+$0x0 ss:$0x1], $0xffff  }
0x46: {  	v9 =	vadd.s32 $0xF20, v5  }
0x47: {  	[tilespmem:v0+s29+$0x180 ss:$0x1] =	vst.idx.msk $0xffff, v3  }
0x48: {  	v3 =	vld.idx.msk [tilespmem:v8+s2+$0x0], $0xffff  }
0x49: {  	v8 =	vadd.s32 $0x12E8, v6  }
0x4a: {  	[tilespmem:v0+s21+$0x180 ss:$0x1] =	vst.idx.msk $0xffff, v4  }
0x4b: {  	v4 =	vld.idx.msk [tilespmem:v9+s2+$0x0], $0xffff  }
0x4c: {  	v9 =	vadd.s32 $0x12E8, v5;
	v10 =	vld.idx.msk [tilespmem:v7+s2+$0x0], $0xffff  }
0x4d: {  	v11 =	vadd.s32 $0x3C8, v7;
	v12 =	vld.idx.msk [tilespmem:v1+s2+$0x0], $0xffff;
	[tilespmem:v0+s29+$0x200 ss:$0x1] =	vst.idx.msk $0xffff, v3  }
0x4e: {  	v3 =	vld.idx.msk [tilespmem:v8+s2+$0x0], $0xffff;
	v8 =	vadd.s32 $0x3C8, v1;
	_ =	sdelay $0x1  }
0x4f: {  	v13 =	vadd.s32 $0x16B0, v6;
	[tilespmem:v0+s21+$0x200 ss:$0x1] =	vst.idx.msk $0xffff, v4  }
0x50: {  	v4 =	vld.idx.msk [tilespmem:v9+s2+$0x0], $0xffff;
	[tilespmem:v0+s22+$0x0 ss:$0x1] =	vst.idx.msk $0xffff, v10  }
0x51: {  	v9 =	vadd.s32 $0x16B0, v5;
	[tilespmem:v0+s23+$0x0 ss:$0x1] =	vst.idx.msk $0xffff, v12;
	v10 =	vld.idx.msk [tilespmem:v11+s2+$0x0], $0xffff  }
0x52: {  	v11 =	vadd.s32 $0x790, v7;
	v8 =	vld.idx.msk [tilespmem:v8+s2+$0x0], $0xffff  }
0x53: {  	v12 =	vadd.s32 $0x790, v1;
	[tilespmem:v0+s29+$0x280 ss:$0x1] =	vst.idx.msk $0xffff, v3  }
0x54: {  	v3 =	vld.idx.msk [tilespmem:v13+s2+$0x0], $0xffff  }
0x55: {  	[tilespmem:v0+s21+$0x280 ss:$0x1] =	vst.idx.msk $0xffff, v4;
	v13 =	vadd.s32 $0x1A78, v6  }
0x56: {  	v4 =	vld.idx.msk [tilespmem:v9+s2+$0x0], $0xffff;
	[tilespmem:v0+s22+$0x80 ss:$0x1] =	vst.idx.msk $0xffff, v10  }
0x57: {  	v9 =	vadd.s32 $0x1A78, v5;
	v10 =	vld.idx.msk [tilespmem:v11+s2+$0x0], $0xffff;
	[tilespmem:v0+s23+$0x80 ss:$0x1] =	vst.idx.msk $0xffff, v8  }
0x58: {  	v8 =	vadd.s32 $0xB58, v7;
	v11 =	vld.idx.msk [tilespmem:v12+s2+$0x0], $0xffff  }
0x59: {  	[tilespmem:v0+s29+$0x300 ss:$0x1] =	vst.idx.msk $0xffff, v3;
	v12 =	vadd.s32 $0xB58, v1  }
0x5a: {  	v3 =	vld.idx.msk [tilespmem:v13+s2+$0x0], $0xffff  }
0x5b: {  	[tilespmem:v0+s21+$0x300 ss:$0x1] =	vst.idx.msk $0xffff, v4;
	v13 =	vadd.s32 $0x1E40, v6  }
0x5c: {  	s26 =	simm.s32 $0x40;
	s24 =	simm.s32 $0x200;
	v4 =	vld.idx.msk [tilespmem:v9+s2+$0x0], $0xffff;
	[tilespmem:v0+s22+$0x100 ss:$0x1] =	vst.idx.msk $0xffff, v10  }
0x5d: {  	s24 =	sand.u32 $0x400, s24;
	s0 =	sand.u32 $0x60, s26;
	v8 =	vld.idx.msk [tilespmem:v8+s2+$0x0], $0xffff;
	[tilespmem:v0+s23+$0x100 ss:$0x1] =	vst.idx.msk $0xffff, v11  }
0x5e: {  	s24 =	sor.u32 s0, s24;
	v14 =	vadd.s32 $0xF20, v7;
	v9 =	vld.idx.msk [tilespmem:v12+s2+$0x0], $0xffff  }
0x5f: {  	v15 =	vadd.s32 $0x1E40, v5;
	[tilespmem:v0+s29+$0x380 ss:$0x1] =	vst.idx.msk $0xffff, v3;
	v12 =	vld.idx.msk [tilespmem:v2+s24+$0x0 ss:$0x1], $0xffff  }
0x60: {  	s25 =	sor.u32 $0x10, s24;
	v11 =	vadd.s32 $0xF20, v1;
	v10 =	vld.idx.msk [tilespmem:v13+s2+$0x0], $0xffff  }
0x61: {  	v3 =	vld.idx.msk [tilespmem:v2+s25+$0x0 ss:$0x1], $0xffff;
	v13 =	vadd.s32 $0x2208, v6  }
0x62: {  	[tilespmem:v0+s22+$0x180 ss:$0x1] =	vst.idx.msk $0xffff, v8  }
0x63: {  	[tilespmem:v0+s21+$0x380 ss:$0x1] =	vst.idx.msk $0xffff, v4;
	v4 =	vld.idx.msk [tilespmem:v14+s2+$0x0], $0xffff  }
0x64: {  	v14 =	vld.idx.msk [tilespmem:v15+s2+$0x0], $0xffff;
	[tilespmem:v0+s23+$0x180 ss:$0x1] =	vst.idx.msk $0xffff, v9  }
0x65: {  	v15 =	vadd.s32 $0x2208, v5;
	v9 =	vld.idx.msk [tilespmem:v11+s2+$0x0], $0xffff;
	[tilespmem:v0+s29+$0x800 ss:$0x1] =	vst.idx.msk $0xffff, v10  }
0x66: {  	v10 =	vadd.s32 $0x12E8, v1;
	v8 =	vld.idx.msk [tilespmem:v13+s2+$0x0], $0xffff  }
0x67: {  	v11 =	vadd.s32 $0x25D0, v6  }
0x68: {  	v13 =	vadd.s32 $0x12E8, v7;
	v16 =	vld.idx.msk [tilespmem:v12+s2+$0x0], $0xffff  }
0x69: {  	v17 =	vadd.s32 $0x3C8, v12;
	v18 =	vld.idx.msk [tilespmem:v3+s2+$0x0], $0xffff;
	[tilespmem:v0+s21+$0x800 ss:$0x1] =	vst.idx.msk $0xffff, v14  }
0x6a: {  	v15 =	vld.idx.msk [tilespmem:v15+s2+$0x0], $0xffff;
	[tilespmem:v0+s23+$0x200 ss:$0x1] =	vst.idx.msk $0xffff, v9  }
0x6b: {  	v9 =	vld.idx.msk [tilespmem:v10+s2+$0x0], $0xffff;
	[tilespmem:v0+s29+$0x880 ss:$0x1] =	vst.idx.msk $0xffff, v8;
	v8 =	vadd.s32 $0x3C8, v3  }
0x6c: {  	[tilespmem:v0+s22+$0x200 ss:$0x1] =	vst.idx.msk $0xffff, v4;
	v10 =	vadd.s32 $0x16B0, v1;
	v4 =	vld.idx.msk [tilespmem:v11+s2+$0x0], $0xffff  }
0x6d: {  	v11 =	vld.idx.msk [tilespmem:v13+s2+$0x0], $0xffff;
	[tilespmem:v0+s24+$0x0 ss:$0x1] =	vst.idx.msk $0xffff, v16;
	v16 =	vadd.s32 $0x25D0, v5  }
0x6e: {  	v13 =	vadd.s32 $0x2998, v6;
	[tilespmem:v0+s25+$0x0 ss:$0x1] =	vst.idx.msk $0xffff, v18;
	v17 =	vld.idx.msk [tilespmem:v17+s2+$0x0], $0xffff  }
0x6f: {  	v14 =	vadd.s32 $0x16B0, v7;
	[tilespmem:v0+s21+$0x880 ss:$0x1] =	vst.idx.msk $0xffff, v15  }
0x70: {  	v18 =	vadd.s32 $0x790, v12;
	v8 =	vld.idx.msk [tilespmem:v8+s2+$0x0], $0xffff;
	[tilespmem:v0+s23+$0x280 ss:$0x1] =	vst.idx.msk $0xffff, v9  }
0x71: {  	v9 =	vld.idx.msk [tilespmem:v10+s2+$0x0], $0xffff;
	[tilespmem:v0+s29+$0x900 ss:$0x1] =	vst.idx.msk $0xffff, v4;
	v4 =	vadd.s32 $0x790, v3  }
0x72: {  	[tilespmem:v0+s22+$0x280 ss:$0x1] =	vst.idx.msk $0xffff, v11;
	v11 =	vadd.s32 $0x1A78, v1;
	v16 =	vld.idx.msk [tilespmem:v16+s2+$0x0], $0xffff  }
0x73: {  	v10 =	vld.idx.msk [tilespmem:v13+s2+$0x0], $0xffff;
	[tilespmem:v0+s24+$0x80 ss:$0x1] =	vst.idx.msk $0xffff, v17;
	v17 =	vadd.s32 $0x2998, v5  }
0x74: {  	v13 =	vld.idx.msk [tilespmem:v14+s2+$0x0], $0xffff;
	v14 =	vadd.s32 $0x2D60, v6  }
0x75: {  	v15 =	vadd.s32 $0x1A78, v7;
	v18 =	vld.idx.msk [tilespmem:v18+s2+$0x0], $0xffff;
	[tilespmem:v0+s25+$0x80 ss:$0x1] =	vst.idx.msk $0xffff, v8  }
0x76: {  	v8 =	vadd.s32 $0xB58, v12;
	v4 =	vld.idx.msk [tilespmem:v4+s2+$0x0], $0xffff;
	[tilespmem:v0+s23+$0x300 ss:$0x1] =	vst.idx.msk $0xffff, v9  }
0x77: {  	[tilespmem:v0+s21+$0x900 ss:$0x1] =	vst.idx.msk $0xffff, v16;
	v9 =	vld.idx.msk [tilespmem:v11+s2+$0x0], $0xffff  }
0x78: {  	s1 =	simm.s32 $0x60;
	s26 =	simm.s32 $0x300;
	[tilespmem:v0+s29+$0x980 ss:$0x1] =	vst.idx.msk $0xffff, v10;
	v10 =	vadd.s32 $0xB58, v3;
	v16 =	vld.idx.msk [tilespmem:v17+s2+$0x0], $0xffff  }
0x79: {  	s26 =	sand.u32 $0x400, s26;
	s0 =	sand.u32 $0x60, s1;
	[tilespmem:v0+s22+$0x300 ss:$0x1] =	vst.idx.msk $0xffff, v13;
	v13 =	vadd.s32 $0x1E40, v1;
	v11 =	vld.idx.msk [tilespmem:v14+s2+$0x0], $0xffff  }
0x7a: {  	s28 =	sor.u32 s0, s26;
	v14 =	vld.idx.msk [tilespmem:v15+s2+$0x0], $0xffff;
	v15 =	vadd.s32 $0x3128, v6;
	[tilespmem:v0+s24+$0x100 ss:$0x1] =	vst.idx.msk $0xffff, v18  }
0x7b: {  	s26 =	sor.u32 $0x10, s28;
	v8 =	vld.idx.msk [tilespmem:v8+s2+$0x0], $0xffff  }
0x7c: {  	v19 =	vadd.s32 $0x1E40, v7;
	[tilespmem:v0+s25+$0x100 ss:$0x1] =	vst.idx.msk $0xffff, v4;
	v4 =	vld.idx.msk [tilespmem:v2+s26+$0x0 ss:$0x1], $0xffff  }
0x7d: {  	v17 =	vadd.s32 $0xF20, v12;
	v10 =	vld.idx.msk [tilespmem:v10+s2+$0x0], $0xffff;
	[tilespmem:v0+s23+$0x380 ss:$0x1] =	vst.idx.msk $0xffff, v9  }
0x7e: {  	v9 =	vld.idx.msk [tilespmem:v13+s2+$0x0], $0xffff;
	[tilespmem:v0+s29+$0xA00 ss:$0x1] =	vst.idx.msk $0xffff, v11;
	v11 =	vadd.s32 $0xF20, v3  }
0x7f: {  	v13 =	vld.idx.msk [tilespmem:v15+s2+$0x0], $0xffff;
	v15 =	vadd.s32 $0x2208, v1  }
0x80: {  	v23 =	vld.idx.msk [tilespmem:v2+s28+$0x0 ss:$0x1], $0xffff;
	[tilespmem:v0+s22+$0x380 ss:$0x1] =	vst.idx.msk $0xffff, v14  }
0x81: {  	v18 =	vadd.s32 $0x34F0, v6;
	v14 =	vld.idx.msk [tilespmem:v19+s2+$0x0], $0xffff;
	[tilespmem:v0+s24+$0x180 ss:$0x1] =	vst.idx.msk $0xffff, v8  }
0x82: {  	v8 =	vadd.s32 $0x2D60, v5;
	v17 =	vld.idx.msk [tilespmem:v17+s2+$0x0], $0xffff;
	[tilespmem:v0+s25+$0x180 ss:$0x1] =	vst.idx.msk $0xffff, v10  }
0x83: {  	v10 =	vld.idx.msk [tilespmem:v11+s2+$0x0], $0xffff;
	[tilespmem:v0+s23+$0x800 ss:$0x1] =	vst.idx.msk $0xffff, v9  }
0x84: {  	[tilespmem:v0+s21+$0x980 ss:$0x1] =	vst.idx.msk $0xffff, v16;
	v16 =	vadd.s32 $0x12E8, v12;
	v9 =	vld.idx.msk [tilespmem:v15+s2+$0x0], $0xffff  }
0x85: {  	v11 =	vadd.s32 $0x12E8, v3;
	[tilespmem:v0+s29+$0xA80 ss:$0x1] =	vst.idx.msk $0xffff, v13;
	v19 =	vld.idx.msk [tilespmem:v4+s2+$0x0], $0xffff  }
0x86: {  	v15 =	vadd.s32 $0x25D0, v1;
	[tilespmem:v0+s22+$0x800 ss:$0x1] =	vst.idx.msk $0xffff, v14;
	v13 =	vld.idx.msk [tilespmem:v18+s2+$0x0], $0xffff  }
0x87: {  	v6 =	vadd.s32 $0x38B8, v6;
	v8 =	vld.idx.msk [tilespmem:v8+s2+$0x0], $0xffff;
	[tilespmem:v0+s24+$0x200 ss:$0x1] =	vst.idx.msk $0xffff, v17  }
0x88: {  	v18 =	vld.idx.msk [tilespmem:v23+s2+$0x0], $0xffff;
	v17 =	vadd.s32 $0x2208, v7;
	[tilespmem:v0+s25+$0x200 ss:$0x1] =	vst.idx.msk $0xffff, v10  }
0x89: {  	v14 =	vld.idx.msk [tilespmem:v16+s2+$0x0], $0xffff;
	v10 =	vadd.s32 $0x3C8, v23;
	[tilespmem:v0+s23+$0x880 ss:$0x1] =	vst.idx.msk $0xffff, v9  }
0x8a: {  	v11 =	vld.idx.msk [tilespmem:v11+s2+$0x0], $0xffff;
	v9 =	vadd.s32 $0x3C8, v4;
	[tilespmem:v0+s26+$0x0 ss:$0x1] =	vst.idx.msk $0xffff, v19  }
0x8b: {  	v15 =	vld.idx.msk [tilespmem:v15+s2+$0x0], $0xffff;
	[tilespmem:v0+s29+$0xB00 ss:$0x1] =	vst.idx.msk $0xffff, v13;
	v13 =	vadd.s32 $0x16B0, v3  }
0x8c: {  	[tilespmem:v0+s21+$0xA00 ss:$0x1] =	vst.idx.msk $0xffff, v8;
	v8 =	vadd.s32 $0x3128, v5;
	v6 =	vld.idx.msk [tilespmem:v6+s2+$0x0], $0xffff  }
0x8d: {  	[tilespmem:v0+s28+$0x0 ss:$0x1] =	vst.idx.msk $0xffff, v18;
	v18 =	vadd.s32 $0x16B0, v12;
	v17 =	vld.idx.msk [tilespmem:v17+s2+$0x0], $0xffff  }
0x8e: {  	v16 =	vadd.s32 $0x2998, v1;
	[tilespmem:v0+s24+$0x280 ss:$0x1] =	vst.idx.msk $0xffff, v14;
	v10 =	vld.idx.msk [tilespmem:v10+s2+$0x0], $0xffff  }
0x8f: {  	v19 =	vadd.s32 $0x25D0, v7;
	v9 =	vld.idx.msk [tilespmem:v9+s2+$0x0], $0xffff;
	[tilespmem:v0+s25+$0x280 ss:$0x1] =	vst.idx.msk $0xffff, v11  }
0x90: {  	v13 =	vld.idx.msk [tilespmem:v13+s2+$0x0], $0xffff;
	[tilespmem:v0+s23+$0x900 ss:$0x1] =	vst.idx.msk $0xffff, v15;
	v15 =	vadd.s32 $0x790, v4  }
0x91: {  	v11 =	vadd.s32 $0x790, v23;
	v22 =	vld.idx.msk [tilespmem:v8+s2+$0x0], $0xffff;
	[tilespmem:v0+s29+$0xB80 ss:$0x1] =	vst.idx.msk $0xffff, v6  }
0x92: {  	v20 =	vadd.s32 $0x1A78, v3;
	v24 =	vld.idx.msk [tilespmem:v18+s2+$0x0], $0xffff;
	[tilespmem:v0+s22+$0x880 ss:$0x1] =	vst.idx.msk $0xffff, v17  }
0x93: {  	v25 =	vadd.s32 $0x34F0, v5;
	v16 =	vld.idx.msk [tilespmem:v16+s2+$0x0], $0xffff;
	[tilespmem:v0+s28+$0x80 ss:$0x1] =	vst.idx.msk $0xffff, v10  }
0x94: {  	v29 =	vadd.s32 $0xF20, v23;
	v17 =	vadd.s32 $0x2D60, v1;
	v26 =	vld.idx.msk [tilespmem:v19+s2+$0x0], $0xffff;
	[tilespmem:v0+s26+$0x80 ss:$0x1] =	vst.idx.msk $0xffff, v9  }
0x95: {  	v28 =	vadd.s32 $0x2998, v7;
	v27 =	vadd.s32 $0x1A78, v12;
	v21 =	vadd.s32 $0x1E40, v12;
	v32 =	vld.idx.msk [tilespmem:v15+s2+$0x0], $0xffff;
	[tilespmem:v0+s25+$0x300 ss:$0x1] =	vst.idx.msk $0xffff, v13  }
0x96: {  	v38 =	vadd.s32 $0x1E40, v3;
	v36 =	vadd.s32 $0xB58, v4;
	v14 =	vadd.s32 $0x2D60, v7;
	v31 =	vld.idx.msk [tilespmem:v11+s2+$0x0], $0xffff;
	[tilespmem:v0+s21+$0xA80 ss:$0x1] =	vst.idx.msk $0xffff, v22  }
0x97: {  	v8 =	vadd.s32 $0x38B8, v5;
	v5 =	vadd.s32 $0x38B8, v7;
	v13 =	vadd.s32 $0xB58, v23;
	[tilespmem:v0+s24+$0x300 ss:$0x1] =	vst.idx.msk $0xffff, v24;
	v34 =	vld.idx.msk [tilespmem:v20+s2+$0x0], $0xffff  }
0x98: {  	v18 =	vadd.s32 $0x25D0, v12;
	v6 =	vadd.s32 $0x34F0, v7;
	v19 =	vadd.s32 $0x2208, v12;
	[tilespmem:v0+s23+$0x980 ss:$0x1] =	vst.idx.msk $0xffff, v16;
	v30 =	vld.idx.msk [tilespmem:v25+s2+$0x0], $0xffff  }
0x99: {  	v10 =	vadd.s32 $0x34F0, v12;
	v9 =	vadd.s32 $0x3128, v7;
	v11 =	vadd.s32 $0x3128, v12;
	v37 =	vld.idx.msk [tilespmem:v17+s2+$0x0], $0xffff;
	[tilespmem:v0+s22+$0x900 ss:$0x1] =	vst.idx.msk $0xffff, v26  }
0x9a: {  	v7 =	vadd.s32 $0x38B8, v12;
	v15 =	vadd.s32 $0x2D60, v12;
	v33 =	vld.idx.msk [tilespmem:v27+s2+$0x0], $0xffff;
	[tilespmem:v0+s26+$0x100 ss:$0x1] =	vst.idx.msk $0xffff, v32;
	v32 =	vadd.s32 $0x3128, v1  }
0x9b: {  	v24 =	vadd.s32 $0x2208, v23;
	v22 =	vadd.s32 $0x25D0, v23;
	v16 =	vadd.s32 $0x2998, v12;
	[tilespmem:v0+s28+$0x100 ss:$0x1] =	vst.idx.msk $0xffff, v31;
	v31 =	vld.idx.msk [tilespmem:v28+s2+$0x0], $0xffff  }
0x9c: {  	v27 =	vadd.s32 $0x12E8, v23;
	v25 =	vadd.s32 $0x1A78, v23;
	v20 =	vadd.s32 $0x2998, v23;
	v35 =	vld.idx.msk [tilespmem:v13+s2+$0x0], $0xffff  }
0x9d: {  	v12 =	vadd.s32 $0x34F0, v23;
	v26 =	vadd.s32 $0x16B0, v23;
	v17 =	vadd.s32 $0x2D60, v23;
	v36 =	vld.idx.msk [tilespmem:v36+s2+$0x0], $0xffff;
	[tilespmem:v0+s25+$0x380 ss:$0x1] =	vst.idx.msk $0xffff, v34  }
0x9e: {  	s30 =	simm.s32 $0x80;
	s31 =	simm.s32 $0x400;
	s29 =	simm.s32 $0x6;
	v28 =	vadd.s32 $0x1E40, v23;
	v13 =	vadd.s32 $0x3128, v23;
	v23 =	vadd.s32 $0x38B8, v23;
	v34 =	vld.idx.msk [tilespmem:v38+s2+$0x0], $0xffff;
	[tilespmem:v0+s23+$0xA00 ss:$0x1] =	vst.idx.msk $0xffff, v37  }
.LBB2_3:
0x9f: {  	s0 =	sand.u32 $0x400, s31;
	s1 =	sand.u32 $0x60, s30;
	s29 =	sadd.s32 $0x2, s29;
	v37 =	vadd.s32 $0xF20, v4;
	v32 =	vld.idx.msk [tilespmem:v32+s2+$0x0], $0xffff;
	[tilespmem:v0+s21+$0xB00 ss:$0x1] =	vst.idx.msk $0xffff, v30  }
0xa0: {  	v30 =	vadd.s32 $0x2208, v3;
	s1 =	sor.u32 s1, s0;
	p0 =	slt.u32 s29, $0xE;
	[tilespmem:v0+s24+$0x380 ss:$0x1] =	vst.idx.msk $0xffff, v33;
	v33 =	vld.idx.msk [tilespmem:v8+s2+$0x0], $0xffff;
	v8 =	vmovc v5;
	v5 =	vmov v7;
	v7 =	vmov v23  }
0xa1: {  	v23 =	vld.idx.msk [tilespmem:v2+s1+$0x0 ss:$0x1], $0xffff;
	s0 =	sor.u32 $0x10, s1;
	[tilespmem:v0+s22+$0x980 ss:$0x1] =	vst.idx.msk $0xffff, v31;
	v31 =	vadd.s32 $0x34F0, v1  }
0xa2: {  	v38 =	vld.idx.msk [tilespmem:v2+s0+$0x0 ss:$0x1], $0xffff;
	[tilespmem:v0+s28+$0x180 ss:$0x1] =	vst.idx.msk $0xffff, v35  }
0xa3: {  	v35 =	vld.idx.msk [tilespmem:v29+s2+$0x0], $0xffff;
	[tilespmem:v0+s26+$0x180 ss:$0x1] =	vst.idx.msk $0xffff, v36  }
0xa4: {  	v36 =	vld.idx.msk [tilespmem:v37+s2+$0x0], $0xffff;
	[tilespmem:v0+s25+$0x800 ss:$0x1] =	vst.idx.msk $0xffff, v34  }
0xa5: {  	v30 =	vld.idx.msk [tilespmem:v30+s2+$0x0], $0xffff;
	[tilespmem:v0+s23+$0xA80 ss:$0x1] =	vst.idx.msk $0xffff, v32  }
0xa6: {  	v32 =	vadd.s32 $0x12E8, v4;
	v31 =	vld.idx.msk [tilespmem:v31+s2+$0x0], $0xffff;
	[tilespmem:v0+s21+$0xB80 ss:$0x1] =	vst.idx.msk $0xffff, v33;
	s21 =	smov.u32 s22;
	s22 =	smov.u32 s24;
	s24 =	smov.u32 s28  }
0xa7: {  	v39 =	vadd.s32 $0x25D0, v3;
	v33 =	vadd.s32 $0x3C8, v23;
	v34 =	vadd.s32 $0x790, v23;
	s28 =	smov.u32 s1;
	v37 =	vld.idx.msk [tilespmem:v21+s2+$0x0], $0xffff;
	v21 =	vmovc v28  }
0xa8: {  	v42 =	vadd.s32 $0x38B8, v1;
	v1 =	vmovc v3;
	v3 =	vmovc v4;
	v40 =	vadd.s32 $0xB58, v23;
	v29 =	vadd.s32 $0xF20, v23;
	v41 =	vld.idx.msk [tilespmem:v14+s2+$0x0], $0xffff  }
0xa9: {  	v44 =	vadd.s32 $0x12E8, v23;
	v45 =	vadd.s32 $0x16B0, v23;
	v46 =	vadd.s32 $0x1A78, v23;
	v4 =	vmovc v38;
	v43 =	vld.idx.msk [tilespmem:v23+s2+$0x0], $0xffff;
	[tilespmem:v0+s24+$0x200 ss:$0x1] =	vst.idx.msk $0xffff, v35  }
0xaa: {  	v47 =	vadd.s32 $0x25D0, v23;
	v28 =	vadd.s32 $0x1E40, v23;
	v14 =	vmovc v15;
	v35 =	vadd.s32 $0x2208, v23;
	v38 =	vld.idx.msk [tilespmem:v38+s2+$0x0], $0xffff;
	[tilespmem:v0+s26+$0x200 ss:$0x1] =	vst.idx.msk $0xffff, v36  }
0xab: {  	v48 =	vadd.s32 $0x3128, v23;
	v15 =	vmovc v17;
	v17 =	vadd.s32 $0x2D60, v23;
	v36 =	vadd.s32 $0x2998, v23;
	v32 =	vld.idx.msk [tilespmem:v32+s2+$0x0], $0xffff;
	[tilespmem:v0+s25+$0x880 ss:$0x1] =	vst.idx.msk $0xffff, v30  }
0xac: {  	v49 =	vadd.s32 $0x34F0, v23;
	v23 =	vadd.s32 $0x38B8, v23;
	v30 =	vadd.s32 $0x3C8, v4;
	v39 =	vld.idx.msk [tilespmem:v39+s2+$0x0], $0xffff;
	[tilespmem:v0+s23+$0xB00 ss:$0x1] =	vst.idx.msk $0xffff, v31  }
0xad: {  	v31 =	vadd.s32 $0x16B0, v3;
	[tilespmem:v0+s22+$0x800 ss:$0x1] =	vst.idx.msk $0xffff, v37;
	v37 =	vld.idx.msk [tilespmem:v42+s2+$0x0], $0xffff  }
0xae: {  	v50 =	vadd.s32 $0x2998, v1;
	v42 =	vld.idx.msk [tilespmem:v27+s2+$0x0], $0xffff;
	[tilespmem:v0+s21+$0xA00 ss:$0x1] =	vst.idx.msk $0xffff, v41;
	v27 =	vmov v44  }
0xaf: {  	[tilespmem:v0+s28+$0x0 ss:$0x1] =	vst.idx.msk $0xffff, v43;
	v41 =	vld.idx.msk [tilespmem:v19+s2+$0x0], $0xffff;
	v19 =	vmov v24;
	v24 =	vmov v35  }
0xb0: {  	v33 =	vld.idx.msk [tilespmem:v33+s2+$0x0], $0xffff;
	[tilespmem:v0+s0+$0x0 ss:$0x1] =	vst.idx.msk $0xffff, v38  }
0xb1: {  	v30 =	vld.idx.msk [tilespmem:v30+s2+$0x0], $0xffff;
	[tilespmem:v0+s26+$0x280 ss:$0x1] =	vst.idx.msk $0xffff, v32  }
0xb2: {  	v31 =	vld.idx.msk [tilespmem:v31+s2+$0x0], $0xffff;
	[tilespmem:v0+s25+$0x900 ss:$0x1] =	vst.idx.msk $0xffff, v39  }
0xb3: {  	v32 =	vadd.s32 $0x790, v4;
	v35 =	vld.idx.msk [tilespmem:v50+s2+$0x0], $0xffff;
	[tilespmem:v0+s23+$0xB80 ss:$0x1] =	vst.idx.msk $0xffff, v37;
	s23 =	smov.u32 s25;
	s25 =	smov.u32 s26;
	s26 =	smov.u32 s0  }
0xb4: {  	v37 =	vadd.s32 $0x1A78, v3;
	[tilespmem:v0+s24+$0x280 ss:$0x1] =	vst.idx.msk $0xffff, v42;
	v38 =	vld.idx.msk [tilespmem:v9+s2+$0x0], $0xffff;
	v9 =	vmovc v11;
	v11 =	vmov v13;
	v13 =	vmov v48  }
0xb5: {  	v39 =	vld.idx.msk [tilespmem:v26+s2+$0x0], $0xffff;
	[tilespmem:v0+s22+$0x880 ss:$0x1] =	vst.idx.msk $0xffff, v41;
	v41 =	vadd.s32 $0x2D60, v1;
	v26 =	vmov v45  }
0xb6: {  	[tilespmem:v0+s28+$0x80 ss:$0x1] =	vst.idx.msk $0xffff, v33;
	v42 =	vld.idx.msk [tilespmem:v18+s2+$0x0], $0xffff;
	v18 =	vmov v22;
	v22 =	vmov v47  }
0xb7: {  	v34 =	vld.idx.msk [tilespmem:v34+s2+$0x0], $0xffff;
	[tilespmem:v0+s26+$0x80 ss:$0x1] =	vst.idx.msk $0xffff, v30  }
0xb8: {  	v43 =	vld.idx.msk [tilespmem:v32+s2+$0x0], $0xffff;
	[tilespmem:v0+s25+$0x300 ss:$0x1] =	vst.idx.msk $0xffff, v31  }
0xb9: {  	v37 =	vld.idx.msk [tilespmem:v37+s2+$0x0], $0xffff;
	[tilespmem:v0+s23+$0x980 ss:$0x1] =	vst.idx.msk $0xffff, v35  }
0xba: {  	v44 =	vadd.s32 $0xB58, v4;
	v41 =	vld.idx.msk [tilespmem:v41+s2+$0x0], $0xffff;
	[tilespmem:v0+s21+$0xA80 ss:$0x1] =	vst.idx.msk $0xffff, v38  }
0xbb: {  	v38 =	vadd.s32 $0x1E40, v3;
	[tilespmem:v0+s24+$0x300 ss:$0x1] =	vst.idx.msk $0xffff, v39;
	v30 =	vld.idx.msk [tilespmem:v6+s2+$0x0], $0xffff;
	v6 =	vmovc v10;
	v10 =	vmov v12;
	v12 =	vmov v49  }
.Ltmp0:
0xbc: {  	v32 =	vadd.s32 $0x3128, v1;
	v33 =	vld.idx.msk [tilespmem:v25+s2+$0x0], $0xffff;
	[tilespmem:v0+s22+$0x900 ss:$0x1] =	vst.idx.msk $0xffff, v42;
	v25 =	vmov v46;
	(pc) =	sbr.rel @p0 .LBB2_3-.Ltmp0, $4  }
0xbd: {  	[tilespmem:v0+s28+$0x100 ss:$0x1] =	vst.idx.msk $0xffff, v34;
	v31 =	vld.idx.msk [tilespmem:v16+s2+$0x0], $0xffff;
	v16 =	vmov v20;
	v20 =	vmov v36  }
0xbe: {  	v35 =	vld.idx.msk [tilespmem:v40+s2+$0x0], $0xffff;
	[tilespmem:v0+s26+$0x100 ss:$0x1] =	vst.idx.msk $0xffff, v43  }
0xbf: {  	v36 =	vld.idx.msk [tilespmem:v44+s2+$0x0], $0xffff;
	[tilespmem:v0+s25+$0x380 ss:$0x1] =	vst.idx.msk $0xffff, v37  }
0xc0: {  	s30 =	sadd.s32 $0x20, s30;
	s31 =	sadd.s32 $0x100, s31;
	v34 =	vld.idx.msk [tilespmem:v38+s2+$0x0], $0xffff;
	[tilespmem:v0+s23+$0xA00 ss:$0x1] =	vst.idx.msk $0xffff, v41  }
0xc1: {  	_ = 	snop  }
0xc2: {  	v2 =	vadd.s32 $0xF20, v4;
	_ =	sdelay $0x2  }
0xc3: {  	[tilespmem:v0+s28+$0x180 ss:$0x1] =	vst.idx.msk $0xffff, v35  }
0xc4: {  	[tilespmem:v0+s26+$0x180 ss:$0x1] =	vst.idx.msk $0xffff, v36;
	v29 =	vld.idx.msk [tilespmem:v29+s2+$0x0], $0xffff  }
0xc5: {  	v2 =	vld.idx.msk [tilespmem:v2+s2+$0x0], $0xffff  }
0xc6: {  	v38 =	vadd.s32 $0x12E8, v4;
	_ =	sdelay $0x2  }
0xc7: {  	[tilespmem:v0+s28+$0x200 ss:$0x1] =	vst.idx.msk $0xffff, v29  }
0xc8: {  	v27 =	vld.idx.msk [tilespmem:v27+s2+$0x0], $0xffff;
	[tilespmem:v0+s26+$0x200 ss:$0x1] =	vst.idx.msk $0xffff, v2  }
0xc9: {  	v2 =	vld.idx.msk [tilespmem:v38+s2+$0x0], $0xffff  }
0xca: {  	v39 =	vadd.s32 $0x16B0, v4;
	_ =	sdelay $0x2  }
0xcb: {  	[tilespmem:v0+s28+$0x280 ss:$0x1] =	vst.idx.msk $0xffff, v27  }
0xcc: {  	v26 =	vld.idx.msk [tilespmem:v26+s2+$0x0], $0xffff;
	[tilespmem:v0+s26+$0x280 ss:$0x1] =	vst.idx.msk $0xffff, v2  }
0xcd: {  	v2 =	vld.idx.msk [tilespmem:v39+s2+$0x0], $0xffff  }
0xce: {  	v40 =	vadd.s32 $0x1A78, v4;
	_ =	sdelay $0x2  }
0xcf: {  	[tilespmem:v0+s28+$0x300 ss:$0x1] =	vst.idx.msk $0xffff, v26  }
0xd0: {  	v25 =	vld.idx.msk [tilespmem:v25+s2+$0x0], $0xffff;
	[tilespmem:v0+s26+$0x300 ss:$0x1] =	vst.idx.msk $0xffff, v2  }
0xd1: {  	v2 =	vld.idx.msk [tilespmem:v40+s2+$0x0], $0xffff  }
0xd2: {  	v41 =	vadd.s32 $0x1E40, v4  }
0xd3: {  	[tilespmem:v0+s24+$0x380 ss:$0x1] =	vst.idx.msk $0xffff, v33  }
0xd4: {  	v21 =	vld.idx.msk [tilespmem:v21+s2+$0x0], $0xffff  }
0xd5: {  	[tilespmem:v0+s28+$0x380 ss:$0x1] =	vst.idx.msk $0xffff, v25  }
0xd6: {  	v42 =	vadd.s32 $0x2208, v3;
	v44 =	vld.idx.msk [tilespmem:v28+s2+$0x0], $0xffff;
	[tilespmem:v0+s26+$0x380 ss:$0x1] =	vst.idx.msk $0xffff, v2  }
0xd7: {  	v2 =	vld.idx.msk [tilespmem:v41+s2+$0x0], $0xffff  }
0xd8: {  	v43 =	vadd.s32 $0x2208, v4  }
0xd9: {  	[tilespmem:v0+s24+$0x800 ss:$0x1] =	vst.idx.msk $0xffff, v21  }
0xda: {  	[tilespmem:v0+s25+$0x800 ss:$0x1] =	vst.idx.msk $0xffff, v34;
	v19 =	vld.idx.msk [tilespmem:v19+s2+$0x0], $0xffff  }
0xdb: {  	v27 =	vld.idx.msk [tilespmem:v42+s2+$0x0], $0xffff;
	[tilespmem:v0+s28+$0x800 ss:$0x1] =	vst.idx.msk $0xffff, v44  }
0xdc: {  	v45 =	vadd.s32 $0x25D0, v3;
	v24 =	vld.idx.msk [tilespmem:v24+s2+$0x0], $0xffff;
	[tilespmem:v0+s26+$0x800 ss:$0x1] =	vst.idx.msk $0xffff, v2  }
0xdd: {  	v2 =	vld.idx.msk [tilespmem:v43+s2+$0x0], $0xffff  }
0xde: {  	v46 =	vadd.s32 $0x25D0, v4  }
0xdf: {  	[tilespmem:v0+s24+$0x880 ss:$0x1] =	vst.idx.msk $0xffff, v19  }
0xe0: {  	v18 =	vld.idx.msk [tilespmem:v18+s2+$0x0], $0xffff;
	[tilespmem:v0+s25+$0x880 ss:$0x1] =	vst.idx.msk $0xffff, v27  }
0xe1: {  	v21 =	vld.idx.msk [tilespmem:v45+s2+$0x0], $0xffff;
	[tilespmem:v0+s28+$0x880 ss:$0x1] =	vst.idx.msk $0xffff, v24  }
0xe2: {  	v47 =	vadd.s32 $0x2998, v3;
	v22 =	vld.idx.msk [tilespmem:v22+s2+$0x0], $0xffff;
	[tilespmem:v0+s26+$0x880 ss:$0x1] =	vst.idx.msk $0xffff, v2  }
0xe3: {  	v2 =	vld.idx.msk [tilespmem:v46+s2+$0x0], $0xffff  }
0xe4: {  	v48 =	vadd.s32 $0x2998, v4  }
0xe5: {  	[tilespmem:v0+s24+$0x900 ss:$0x1] =	vst.idx.msk $0xffff, v18  }
0xe6: {  	v16 =	vld.idx.msk [tilespmem:v16+s2+$0x0], $0xffff;
	[tilespmem:v0+s25+$0x900 ss:$0x1] =	vst.idx.msk $0xffff, v21  }
0xe7: {  	v19 =	vld.idx.msk [tilespmem:v47+s2+$0x0], $0xffff;
	[tilespmem:v0+s28+$0x900 ss:$0x1] =	vst.idx.msk $0xffff, v22  }
0xe8: {  	v49 =	vadd.s32 $0x2D60, v3;
	v20 =	vld.idx.msk [tilespmem:v20+s2+$0x0], $0xffff;
	[tilespmem:v0+s26+$0x900 ss:$0x1] =	vst.idx.msk $0xffff, v2  }
0xe9: {  	[tilespmem:v0+s21+$0xB00 ss:$0x1] =	vst.idx.msk $0xffff, v30;
	v2 =	vld.idx.msk [tilespmem:v48+s2+$0x0], $0xffff  }
0xea: {  	v50 =	vadd.s32 $0x2D60, v4;
	v51 =	vld.idx.msk [tilespmem:v32+s2+$0x0], $0xffff;
	[tilespmem:v0+s22+$0x980 ss:$0x1] =	vst.idx.msk $0xffff, v31  }
0xeb: {  	v14 =	vld.idx.msk [tilespmem:v14+s2+$0x0], $0xffff;
	[tilespmem:v0+s24+$0x980 ss:$0x1] =	vst.idx.msk $0xffff, v16  }
0xec: {  	v15 =	vld.idx.msk [tilespmem:v15+s2+$0x0], $0xffff;
	[tilespmem:v0+s25+$0x980 ss:$0x1] =	vst.idx.msk $0xffff, v19  }
0xed: {  	v18 =	vld.idx.msk [tilespmem:v49+s2+$0x0], $0xffff;
	[tilespmem:v0+s28+$0x980 ss:$0x1] =	vst.idx.msk $0xffff, v20  }
0xee: {  	v52 =	vadd.s32 $0x3128, v3;
	v17 =	vld.idx.msk [tilespmem:v17+s2+$0x0], $0xffff;
	[tilespmem:v0+s26+$0x980 ss:$0x1] =	vst.idx.msk $0xffff, v2  }
0xef: {  	[tilespmem:v0+s23+$0xA80 ss:$0x1] =	vst.idx.msk $0xffff, v51;
	v2 =	vld.idx.msk [tilespmem:v50+s2+$0x0], $0xffff  }
0xf0: {  	v53 =	vadd.s32 $0x3128, v4;
	v8 =	vld.idx.msk [tilespmem:v8+s2+$0x0], $0xffff;
	[tilespmem:v0+s22+$0xA00 ss:$0x1] =	vst.idx.msk $0xffff, v14  }
0xf1: {  	v54 =	vadd.s32 $0x34F0, v1;
	v9 =	vld.idx.msk [tilespmem:v9+s2+$0x0], $0xffff;
	[tilespmem:v0+s24+$0xA00 ss:$0x1] =	vst.idx.msk $0xffff, v15  }
0xf2: {  	v11 =	vld.idx.msk [tilespmem:v11+s2+$0x0], $0xffff;
	[tilespmem:v0+s25+$0xA00 ss:$0x1] =	vst.idx.msk $0xffff, v18  }
0xf3: {  	v16 =	vld.idx.msk [tilespmem:v52+s2+$0x0], $0xffff;
	[tilespmem:v0+s28+$0xA00 ss:$0x1] =	vst.idx.msk $0xffff, v17  }
0xf4: {  	v55 =	vadd.s32 $0x34F0, v3;
	v13 =	vld.idx.msk [tilespmem:v13+s2+$0x0], $0xffff;
	[tilespmem:v0+s26+$0xA00 ss:$0x1] =	vst.idx.msk $0xffff, v2  }
0xf5: {  	[tilespmem:v0+s21+$0xB80 ss:$0x1] =	vst.idx.msk $0xffff, v8;
	v2 =	vld.idx.msk [tilespmem:v53+s2+$0x0], $0xffff  }
0xf6: {  	v56 =	vadd.s32 $0x34F0, v4;
	v14 =	vld.idx.msk [tilespmem:v54+s2+$0x0], $0xffff;
	[tilespmem:v0+s22+$0xA80 ss:$0x1] =	vst.idx.msk $0xffff, v9  }
0xf7: {  	v57 =	vadd.s32 $0x38B8, v1;
	v6 =	vld.idx.msk [tilespmem:v6+s2+$0x0], $0xffff;
	[tilespmem:v0+s24+$0xA80 ss:$0x1] =	vst.idx.msk $0xffff, v11  }
0xf8: {  	v10 =	vld.idx.msk [tilespmem:v10+s2+$0x0], $0xffff;
	[tilespmem:v0+s25+$0xA80 ss:$0x1] =	vst.idx.msk $0xffff, v16  }
0xf9: {  	v58 =	vld.idx.msk [tilespmem:v55+s2+$0x0], $0xffff;
	[tilespmem:v0+s28+$0xA80 ss:$0x1] =	vst.idx.msk $0xffff, v13  }
0xfa: {  	v59 =	vadd.s32 $0x38B8, v3;
	v61 =	vld.idx.msk [tilespmem:v12+s2+$0x0], $0xffff;
	[tilespmem:v0+s26+$0xA80 ss:$0x1] =	vst.idx.msk $0xffff, v2  }
0xfb: {  	[tilespmem:v0+s23+$0xB00 ss:$0x1] =	vst.idx.msk $0xffff, v14;
	v2 =	vld.idx.msk [tilespmem:v56+s2+$0x0], $0xffff  }
0xfc: {  	v60 =	vadd.s32 $0x38B8, v4;
	v1 =	vld.idx.msk [tilespmem:v57+s2+$0x0], $0xffff;
	[tilespmem:v0+s22+$0xB00 ss:$0x1] =	vst.idx.msk $0xffff, v6  }
0xfd: {  	v5 =	vld.idx.msk [tilespmem:v5+s2+$0x0], $0xffff;
	[tilespmem:v0+s24+$0xB00 ss:$0x1] =	vst.idx.msk $0xffff, v10  }
0xfe: {  	v62 =	vld.idx.msk [tilespmem:v7+s2+$0x0], $0xffff;
	[tilespmem:v0+s25+$0xB00 ss:$0x1] =	vst.idx.msk $0xffff, v58  }
0xff: {  	v3 =	vld.idx.msk [tilespmem:v59+s2+$0x0], $0xffff;
	[tilespmem:v0+s28+$0xB00 ss:$0x1] =	vst.idx.msk $0xffff, v61  }
0x100: {  	v63 =	vld.idx.msk [tilespmem:v23+s2+$0x0], $0xffff;
	[tilespmem:v0+s26+$0xB00 ss:$0x1] =	vst.idx.msk $0xffff, v2  }
0x101: {  	s18 =	sadd.s32 $0x1, s18;
	[tilespmem:v0+s23+$0xB80 ss:$0x1] =	vst.idx.msk $0xffff, v1;
	v2 =	vld.idx.msk [tilespmem:v60+s2+$0x0], $0xffff  }
0x102: {  	p0 =	sne.s32 s18, $0x8;
	[tilespmem:v0+s22+$0xB80 ss:$0x1] =	vst.idx.msk $0xffff, v5  }
.Ltmp1:
0x103: {  	[tilespmem:v0+s24+$0xB80 ss:$0x1] =	vst.idx.msk $0xffff, v62;
	(pc) =	sbr.rel @p0 .LBB2_2-.Ltmp1, $4  }
0x104: {  	[tilespmem:v0+s25+$0xB80 ss:$0x1] =	vst.idx.msk $0xffff, v3  }
0x105: {  	[tilespmem:v0+s28+$0xB80 ss:$0x1] =	vst.idx.msk $0xffff, v63  }
0x106: {  	s0 =	sadd.s32 s19, s12;
	[tilespmem:v0+s26+$0xB80 ss:$0x1] =	vst.idx.msk $0xffff, v2  }
0x107: {  	[hbm4b:s0+s2] =	stream.linear.scatter [tilespmem:s20], [sflag:$0x2], $0x1000, $0x38;
	[tilespmem:$0xC480] =	vst v63  }
0x108: {  	s17 =	sadd.s32 $0x1, s17  }
0x109: {  	p0 =	sne.s32 s17, s13  }
.Ltmp2:
0x10a: {  	_ = 	snop;
	(pc) =	sbr.rel @p0 .LBB2_1-.Ltmp2, $4  }
0x10b: {  	_ = 	snop  }
0x10c: {  	_ =	swait.ge [sflag:s16], $0x8000  }
0x10d: {  	[sflag:s16] =	ssyncset.done $0x0  }
0x10e: {  	[sflag:s16] =	ssyncadd.s32 $0xFFFF8000  }
0x10f: {  	_ =	sfence.sel $0x180000  }
0x110: {  	[bflag:$0x0] =	sbarrier.arrive $0xFFFF  }
0x111: {  	_ =	strace $0x90000047  }
0x112: {  	s0 =	stileid.u32;
	[bflag:$0x2] =	sbarrier.arrive $0xFFFF  }
0x113: {  	p0 =	sne.s32 s0, $0x0;
	s0 =	rddreg [dreg:$0x3]  }
0x114: {  	s0 =	sadd.s32 @!p0 $0x100000, s0  }
0x115: {  	[sflag:s0] =	ssyncadd.tile.s32 @!p0 $0x1;
	_ =	shalt  }
.Lfunc_end2:
_tile_overlayer_lowered:
.L_overlay_start_2:
0x116: {  	(tag) =	ssettag $0x2  }
0x117: {  	s0 =	rddreg [dreg:$0x0];
	s2 =	stileid.u32  }
0x118: {  	s1 =	rddreg [dreg:$0x1];
	p0 =	sne.s32 s2, $0x0  }
0x119: {  	s3 =	rddreg [dreg:$0x2];
	[bflag:$0x3] =	sbarrier.arrive $0xFFFF;
	s2 =	simm.s32 @!p0 $0x1C03  }
0x11a: {  	[timem:s3], [sflag:s2] =	dma.local @!p0 [hbm:s0], s1  }
0x11b: {  	s0 =	simm.s32 @!p0 $0x3  }
0x11c: {  	_ =	swait.ge @!p0 [sflag:s0], s1  }
0x11d: {  	s1 =	ssub.s32 @!p0 $0x0, s1;
	[sflag:s0] =	ssyncset.done @!p0 $0x0  }
0x11e: {  	[sflag:s0] =	ssyncadd.s32 @!p0 s1  }
0x11f: {  	[bflag:$0x3] =	sbarrier.arrive $0xFFFF  }
0x120: {  	_ =	shalt  }

</sc_bundles>
